<compile_context>
chip_gen: v7x
topology: tpu7x:2x2x1
jax: 0.10.2.dev20260603
libtpu: 0.0.44.dev20260713+nightly
codegen_flags: <defaults>
</compile_context>

<pallas_src>
import functools

import jax
import jax.numpy as jnp
from jax.experimental import pallas as pl
from jax.experimental.pallas import tpu as pltpu
from jax.experimental.pallas import tpu_sc as plsc

_D = 256
_K = 8192
_C = 32
_BETA = 0.25
_RB = 512
_N = 8 * 576
_NB = _N // _RB
_INT_MIN = -2147483648
_INT16_BIG = 8192

_NW = 32
_BPW = _N // _NW


def _rowsumsq(x):
    y = x * x
    s = y[:, :128] + y[:, 128:]
    p = s[:, 0:8] + s[:, 8:16]
    for g in range(2, 16):
        p = p + s[:, 8 * g:8 * g + 8]
    q = p[:, 0:4] + p[:, 4:8]
    q = q[:, 0:2] + q[:, 2:4]
    return q[:, 0:1] + q[:, 1:2]


def _codebook_sumsq_kernel(e_ref, o_ref):
    o_ref[...] = _rowsumsq(e_ref[...])


def _select_kernel(x_ref, kk_ref, e_ref, b_ref, idx_ref):
    x = x_ref[...]
    e = e_ref[...]
    b = b_ref[...]
    kk = kk_ref[...]
    c = jax.lax.dot_general(x, e, (((1,), (1,)), ((), ())),
                            preferred_element_type=jnp.float32)
    a = _rowsumsq(x)
    dist = (a + b) - 2.0 * c

    bits = jax.lax.bitcast_convert_type(dist, jnp.int32)
    key = jnp.where(bits >= 0, bits, (~bits) ^ jnp.int32(_INT_MIN))

    kk16 = kk.astype(jnp.int16)

    def count16(mask):
        m = mask.astype(jnp.int16)
        w = _K // 2
        while w >= 128:
            m = m[:, :w] + m[:, w:]
            w //= 2
        return jnp.sum(m.astype(jnp.int32), axis=1, keepdims=True,
                       ).astype(jnp.int16)

    def search16(keys16, rank16, nbits):
        cnt_neg = count16(keys16 < jnp.int16(0))
        neg = rank16 < cnt_neg
        prefix0 = jnp.where(neg, jnp.int16(-32768), jnp.int16(0))
        cntp0 = jnp.where(neg, jnp.int16(0), cnt_neg)

        def body(t, carry):
            prefix, cntp = carry
            bit = (jnp.int32(1) << (jnp.int32(nbits - 1) - t)).astype(jnp.int16)
            cand = prefix | bit
            cnt = count16(keys16 < cand)
            take = cnt <= rank16
            return jnp.where(take, cand, prefix), jnp.where(take, cnt, cntp)

        return jax.lax.fori_loop(0, nbits, body, (prefix0, cntp0))

    khi = (key >> 16).astype(jnp.int16)
    vhi, cnt_hi = search16(khi, kk16, 15)

    eqhi = khi == vhi
    klo = jnp.where(eqhi, key.astype(jnp.int16) ^ jnp.int16(-32768),
                    jnp.int16(32767))
    vlo, cnt_lo = search16(klo, kk16 - cnt_hi, 15)

    iota = jax.lax.broadcasted_iota(jnp.int16, (_RB, _K), 1)
    tie_keys = jnp.where(eqhi & (klo == vlo), iota, jnp.int16(_INT16_BIG))
    sel16, _ = search16(tie_keys, kk16 - cnt_hi - cnt_lo, 13)
    idx_ref[...] = sel16.astype(jnp.int32)


def _finalize_kernel(l_ref, q_ref, o_ref, loss_ref, acc_ref):
    i = pl.program_id(0)
    lat = l_ref[...]
    q = q_ref[...]
    diff = q - lat
    o_ref[...] = lat + diff

    @pl.when(i == 0)
    def _():
        acc_ref[0, 0] = 0.0

    acc_ref[0, 0] += jnp.sum(diff * diff)

    @pl.when(i == _NB - 1)
    def _():
        mse = acc_ref[0, 0] / (_N * _D)
        loss_ref[...] = jnp.full((1, 1), mse * _BETA + mse, jnp.float32)


def _sc_gather(table, idx):
    mesh = plsc.VectorSubcoreMesh(core_axis_name="c", subcore_axis_name="s")

    @functools.partial(
        pl.kernel, mesh=mesh,
        out_type=jax.ShapeDtypeStruct((_N, _D), jnp.float32),
        scratch_types=[
            pltpu.VMEM((_BPW,), jnp.int32),
            pltpu.VMEM((_BPW, _D), jnp.float32),
            pltpu.SemaphoreType.DMA,
        ],
    )
    def gather_k(table_hbm, idx_hbm, out_hbm, idx_v, rows_v, sem):
        wid = jax.lax.axis_index("s") * 2 + jax.lax.axis_index("c")
        base = wid * _BPW
        pltpu.sync_copy(idx_hbm.at[pl.ds(base, _BPW)], idx_v)
        pltpu.async_copy(table_hbm.at[idx_v], rows_v, sem).wait()
        pltpu.sync_copy(rows_v, out_hbm.at[pl.ds(base, _BPW)])

    return gather_k(table, idx)


def kernel(latents, k, embedding):
    flat = latents.reshape(_N, _D)
    kk = jnp.tile(k.astype(jnp.int32), _RB // _C).reshape(_RB, 1)

    bcol = pl.pallas_call(
        _codebook_sumsq_kernel,
        grid=(_K // 512,),
        in_specs=[pl.BlockSpec((512, _D), lambda i: (i, 0))],
        out_specs=pl.BlockSpec((512, 1), lambda i: (i, 0)),
        out_shape=jax.ShapeDtypeStruct((_K, 1), jnp.float32),
    )(embedding)
    brow = bcol.reshape(1, _K)

    inds = pl.pallas_call(
        _select_kernel,
        grid=(_NB,),
        in_specs=[pl.BlockSpec((_RB, _D), lambda i: (i, 0)),
                  pl.BlockSpec((_RB, 1), lambda i: (0, 0)),
                  pl.BlockSpec((_K, _D), lambda i: (0, 0)),
                  pl.BlockSpec((1, _K), lambda i: (0, 0))],
        out_specs=pl.BlockSpec((_RB, 1), lambda i: (i, 0)),
        out_shape=jax.ShapeDtypeStruct((_N, 1), jnp.int32),
    )(flat, kk, embedding, brow)

    quant = _sc_gather(embedding, inds.reshape(_N))

    quant_st, loss = pl.pallas_call(
        _finalize_kernel,
        grid=(_NB,),
        in_specs=[pl.BlockSpec((_RB, _D), lambda i: (i, 0)),
                  pl.BlockSpec((_RB, _D), lambda i: (i, 0))],
        out_specs=[pl.BlockSpec((_RB, _D), lambda i: (i, 0)),
                   pl.BlockSpec((1, 1), lambda i: (0, 0))],
        out_shape=[jax.ShapeDtypeStruct((_N, _D), jnp.float32),
                   jax.ShapeDtypeStruct((1, 1), jnp.float32)],
        scratch_shapes=[pltpu.SMEM((1, 1), jnp.float32)],
    )(flat, quant)

    return quant_st.reshape(latents.shape), loss.reshape(())

# --- scband reference (transcript-rebuilt; emitter-appended) ---
"""Pipeline reference for scband-vector-quantizer-34969623724291 (READ-ONLY COPY).

The authoritative reference and input builder live on the scoring server;
editing this copy changes nothing except your own understanding.
"""

import jax, jax.numpy as jnp
import numpy as np

K = 8192
C = 32
D = K // C  # 256
BETA = 0.25


def setup_inputs(seed: int = 0):
    key = jax.random.key(seed)
    k1, k2, k3 = jax.random.split(key, 3)
    latents = jax.random.normal(k1, (8, 576, D), dtype=jnp.float32)
    k = jax.random.randint(k2, (C,), 0, K, dtype=jnp.int32)
    embedding = jax.random.uniform(k3, (K, D), dtype=jnp.float32, minval=-1.0 / K, maxval=1.0 / K)
    return {"latents": latents, "k": k, "embedding": embedding}


def reference(latents, k, embedding):
    flat = latents.reshape(-1, D)
    dist = (jnp.sum(flat ** 2, axis=1, keepdims=True)
            + jnp.sum(embedding ** 2, axis=1)
            - 2.0 * (flat @ embedding.T))
    enc = jnp.argsort(dist, axis=1)  # ascending, matches descending=False
    enc = enc.reshape(-1, C, K)
    # select[:, i] = enc[:, i, k[i]]
    sel = jnp.take_along_axis(enc, k.astype(jnp.int32).reshape(1, C, 1), axis=2)[:, :, 0]
    inds = sel.reshape(-1)
    one_hot = jax.nn.one_hot(inds, K, dtype=latents.dtype)
    quant = (one_hot @ embedding).reshape(latents.shape)
    commitment_loss = jnp.mean((jax.lax.stop_gradient(quant) - latents) ** 2)
    embedding_loss = jnp.mean((quant - jax.lax.stop_gradient(latents)) ** 2)
    vq_loss = commitment_loss * BETA + embedding_loss
    quant_st = latents + jax.lax.stop_gradient(quant - latents)
    return quant_st, vq_loss

if __name__ == "__main__":
    import jax
    _d = setup_inputs()
    print(jax.jit(kernel)(*tuple(_d.values())))

</pallas_src>

<mosaic_0001>
#map = affine_map<(d0, d1) -> (0, 0)>
#map1 = affine_map<(d0, d1) -> (0)>
module attributes {stable_mosaic.version = 14 : i64} {
  func.func @gather_k(%arg0: i32, %arg1: i32, %arg2: memref<8192x256xf32, #tpu.memory_space<hbm>>, %arg3: memref<4608xi32, #tpu.memory_space<hbm>>, %arg4: memref<4608x256xf32, #tpu.memory_space<hbm>>, %arg5: memref<144xi32, #tpu.memory_space<vmem>>, %arg6: memref<144x256xf32, #tpu.memory_space<vmem>>, %arg7: memref<!tpu.dma_semaphore, #tpu.memory_space<semaphore_mem>>) attributes {dimension_semantics = [#tpu.dimension_semantics<core_parallel>, #tpu.dimension_semantics<subcore_parallel>], iteration_bounds = array<i64: 2, 16>, scalar_prefetch = 0 : i64, scratch_operands = 3 : i64, tpu.core_type = #tpu.core_type<sc_vector_subcore>, window_params = [{transform_indices = #map}, {transform_indices = #map1}, {transform_indices = #map}]} {
    %mul3A = arith.constant 2 : i32
    %mul3A_0 = arith.muli %arg1, %mul3A : i32
    %add3A = arith.addi %mul3A_0, %arg0 : i32
    %mul3A_1 = arith.constant 144 : i32
    %mul3A_2 = arith.muli %add3A, %mul3A_1 : i32
    "tpu.region"() ({
      %run_scoped3A = tpu.sem_alloc : memref<!tpu.dma_semaphore, #tpu.memory_space<semaphore_mem>>
      %dma_start3A_7 = tpu.memref_slice %arg3[%mul3A_2] : memref<4608xi32, #tpu.memory_space<hbm>> -> memref<144xi32, #tpu.memory_space<hbm>>
      %dma_start3A_8 = tpu.memref_slice %arg3[%mul3A_2] : memref<4608xi32, #tpu.memory_space<hbm>> -> memref<144xi32, #tpu.memory_space<hbm>>
      tpu.enqueue_dma source(%dma_start3A_8 : memref<144xi32, #tpu.memory_space<hbm>>) target(%arg5 : memref<144xi32, #tpu.memory_space<vmem>>) target_semaphore(%run_scoped3A : memref<!tpu.dma_semaphore, #tpu.memory_space<semaphore_mem>>)
      %dma_wait3A_9 = tpu.memref_slice %arg3[%mul3A_2] : memref<4608xi32, #tpu.memory_space<hbm>> -> memref<144xi32, #tpu.memory_space<hbm>>
      %dma_wait3A_10 = tpu.memref_slice %arg3[%mul3A_2] : memref<4608xi32, #tpu.memory_space<hbm>> -> memref<144xi32, #tpu.memory_space<hbm>>
      tpu.wait_dma2 semaphore(%run_scoped3A : memref<!tpu.dma_semaphore, #tpu.memory_space<semaphore_mem>>) src(%dma_wait3A_10 : memref<144xi32, #tpu.memory_space<hbm>>) dst(%arg5 : memref<144xi32, #tpu.memory_space<vmem>>)
      tpu.yield
    }) : () -> ()
    %dma_start3A = arith.constant 0 : i32
    %dma_start3A_3 = arith.constant 0 : i32
    %dma_start3A_4 = tpu.memref_slice %arg2[%dma_start3A, %dma_start3A_3] : memref<8192x256xf32, #tpu.memory_space<hbm>> -> memref<8192x256xf32, #tpu.memory_space<hbm>>
    tpu.enqueue_indirect_dma source(%dma_start3A_4 : memref<8192x256xf32, #tpu.memory_space<hbm>>) target(%arg6 : memref<144x256xf32, #tpu.memory_space<vmem>>) offsets(%arg5 : memref<144xi32, #tpu.memory_space<vmem>>) semaphore(%arg7 : memref<!tpu.dma_semaphore, #tpu.memory_space<semaphore_mem>>)
    %dma_wait3A = arith.constant 0 : i32
    %dma_wait3A_5 = arith.constant 0 : i32
    %dma_wait3A_6 = tpu.memref_slice %arg2[%dma_wait3A, %dma_wait3A_5] : memref<8192x256xf32, #tpu.memory_space<hbm>> -> memref<8192x256xf32, #tpu.memory_space<hbm>>
    tpu.wait_indirect_dma semaphore(%arg7 : memref<!tpu.dma_semaphore, #tpu.memory_space<semaphore_mem>>) src(%dma_wait3A_6 : memref<8192x256xf32, #tpu.memory_space<hbm>>) dst(%arg6 : memref<144x256xf32, #tpu.memory_space<vmem>>)
    "tpu.region"() ({
      %run_scoped3A = tpu.sem_alloc : memref<!tpu.dma_semaphore, #tpu.memory_space<semaphore_mem>>
      %dma_start3A_7 = arith.constant 0 : i32
      %dma_start3A_8 = tpu.memref_slice %arg4[%mul3A_2, %dma_start3A_7] : memref<4608x256xf32, #tpu.memory_space<hbm>> -> memref<144x256xf32, #tpu.memory_space<hbm>>
      %dma_start3A_9 = arith.constant 0 : i32
      %dma_start3A_10 = tpu.memref_slice %arg4[%mul3A_2, %dma_start3A_9] : memref<4608x256xf32, #tpu.memory_space<hbm>> -> memref<144x256xf32, #tpu.memory_space<hbm>>
      tpu.enqueue_dma source(%arg6 : memref<144x256xf32, #tpu.memory_space<vmem>>) target(%dma_start3A_10 : memref<144x256xf32, #tpu.memory_space<hbm>>) target_semaphore(%run_scoped3A : memref<!tpu.dma_semaphore, #tpu.memory_space<semaphore_mem>>)
      %dma_wait3A_11 = arith.constant 0 : i32
      %dma_wait3A_12 = tpu.memref_slice %arg4[%mul3A_2, %dma_wait3A_11] : memref<4608x256xf32, #tpu.memory_space<hbm>> -> memref<144x256xf32, #tpu.memory_space<hbm>>
      %dma_wait3A_13 = arith.constant 0 : i32
      %dma_wait3A_14 = tpu.memref_slice %arg4[%mul3A_2, %dma_wait3A_13] : memref<4608x256xf32, #tpu.memory_space<hbm>> -> memref<144x256xf32, #tpu.memory_space<hbm>>
      tpu.wait_dma2 semaphore(%run_scoped3A : memref<!tpu.dma_semaphore, #tpu.memory_space<semaphore_mem>>) src(%arg6 : memref<144x256xf32, #tpu.memory_space<vmem>>) dst(%dma_wait3A_14 : memref<144x256xf32, #tpu.memory_space<hbm>>)
      tpu.yield
    }) : () -> ()
    return
  }
}

module attributes {stable_mosaic.version = 14 : i64} {
  func.func @_codebook_sumsq_kernel(%arg0: i32, %arg1: memref<512x256xf32, #tpu.memory_space<vmem>>, %arg2: memref<512x1xf32, #tpu.memory_space<vmem>>) attributes {dimension_semantics = [#tpu.dimension_semantics<arbitrary>], iteration_bounds = array<i64: 16>, scalar_prefetch = 0 : i64, scratch_operands = 0 : i64, tpu.core_type = #tpu.core_type<tc>, window_params = [{transform_indices = @transform_0, window_bounds = array<i64: 512, 256>}, {transform_indices = @transform_1, window_bounds = array<i64: 512, 1>}]} {
    %get3A = arith.constant 0 : index
    %get3A_0 = arith.constant 0 : index
    %get3A_1 = vector.load %arg1[%get3A, %get3A_0] : memref<512x256xf32, #tpu.memory_space<vmem>>, vector<512x256xf32>
    %mul3A = arith.mulf %get3A_1, %get3A_1 : vector<512x256xf32>
    %slice3A = vector.extract_strided_slice %mul3A {offsets = [0, 0], sizes = [512, 128], strides = [1, 1]} : vector<512x256xf32> to vector<512x128xf32>
    %slice3A_2 = vector.extract_strided_slice %mul3A {offsets = [0, 128], sizes = [512, 128], strides = [1, 1]} : vector<512x256xf32> to vector<512x128xf32>
    %add3A = arith.addf %slice3A, %slice3A_2 : vector<512x128xf32>
    %slice3A_3 = vector.extract_strided_slice %add3A {offsets = [0, 0], sizes = [512, 8], strides = [1, 1]} : vector<512x128xf32> to vector<512x8xf32>
    %slice3A_4 = vector.extract_strided_slice %add3A {offsets = [0, 8], sizes = [512, 8], strides = [1, 1]} : vector<512x128xf32> to vector<512x8xf32>
    %add3A_5 = arith.addf %slice3A_3, %slice3A_4 : vector<512x8xf32>
    %slice3A_6 = vector.extract_strided_slice %add3A {offsets = [0, 16], sizes = [512, 8], strides = [1, 1]} : vector<512x128xf32> to vector<512x8xf32>
    %add3A_7 = arith.addf %add3A_5, %slice3A_6 : vector<512x8xf32>
    %slice3A_8 = vector.extract_strided_slice %add3A {offsets = [0, 24], sizes = [512, 8], strides = [1, 1]} : vector<512x128xf32> to vector<512x8xf32>
    %add3A_9 = arith.addf %add3A_7, %slice3A_8 : vector<512x8xf32>
    %slice3A_10 = vector.extract_strided_slice %add3A {offsets = [0, 32], sizes = [512, 8], strides = [1, 1]} : vector<512x128xf32> to vector<512x8xf32>
    %add3A_11 = arith.addf %add3A_9, %slice3A_10 : vector<512x8xf32>
    %slice3A_12 = vector.extract_strided_slice %add3A {offsets = [0, 40], sizes = [512, 8], strides = [1, 1]} : vector<512x128xf32> to vector<512x8xf32>
    %add3A_13 = arith.addf %add3A_11, %slice3A_12 : vector<512x8xf32>
    %slice3A_14 = vector.extract_strided_slice %add3A {offsets = [0, 48], sizes = [512, 8], strides = [1, 1]} : vector<512x128xf32> to vector<512x8xf32>
    %add3A_15 = arith.addf %add3A_13, %slice3A_14 : vector<512x8xf32>
    %slice3A_16 = vector.extract_strided_slice %add3A {offsets = [0, 56], sizes = [512, 8], strides = [1, 1]} : vector<512x128xf32> to vector<512x8xf32>
    %add3A_17 = arith.addf %add3A_15, %slice3A_16 : vector<512x8xf32>
    %slice3A_18 = vector.extract_strided_slice %add3A {offsets = [0, 64], sizes = [512, 8], strides = [1, 1]} : vector<512x128xf32> to vector<512x8xf32>
    %add3A_19 = arith.addf %add3A_17, %slice3A_18 : vector<512x8xf32>
    %slice3A_20 = vector.extract_strided_slice %add3A {offsets = [0, 72], sizes = [512, 8], strides = [1, 1]} : vector<512x128xf32> to vector<512x8xf32>
    %add3A_21 = arith.addf %add3A_19, %slice3A_20 : vector<512x8xf32>
    %slice3A_22 = vector.extract_strided_slice %add3A {offsets = [0, 80], sizes = [512, 8], strides = [1, 1]} : vector<512x128xf32> to vector<512x8xf32>
    %add3A_23 = arith.addf %add3A_21, %slice3A_22 : vector<512x8xf32>
    %slice3A_24 = vector.extract_strided_slice %add3A {offsets = [0, 88], sizes = [512, 8], strides = [1, 1]} : vector<512x128xf32> to vector<512x8xf32>
    %add3A_25 = arith.addf %add3A_23, %slice3A_24 : vector<512x8xf32>
    %slice3A_26 = vector.extract_strided_slice %add3A {offsets = [0, 96], sizes = [512, 8], strides = [1, 1]} : vector<512x128xf32> to vector<512x8xf32>
    %add3A_27 = arith.addf %add3A_25, %slice3A_26 : vector<512x8xf32>
    %slice3A_28 = vector.extract_strided_slice %add3A {offsets = [0, 104], sizes = [512, 8], strides = [1, 1]} : vector<512x128xf32> to vector<512x8xf32>
    %add3A_29 = arith.addf %add3A_27, %slice3A_28 : vector<512x8xf32>
    %slice3A_30 = vector.extract_strided_slice %add3A {offsets = [0, 112], sizes = [512, 8], strides = [1, 1]} : vector<512x128xf32> to vector<512x8xf32>
    %add3A_31 = arith.addf %add3A_29, %slice3A_30 : vector<512x8xf32>
    %slice3A_32 = vector.extract_strided_slice %add3A {offsets = [0, 120], sizes = [512, 8], strides = [1, 1]} : vector<512x128xf32> to vector<512x8xf32>
    %add3A_33 = arith.addf %add3A_31, %slice3A_32 : vector<512x8xf32>
    %slice3A_34 = vector.extract_strided_slice %add3A_33 {offsets = [0, 0], sizes = [512, 4], strides = [1, 1]} : vector<512x8xf32> to vector<512x4xf32>
    %slice3A_35 = vector.extract_strided_slice %add3A_33 {offsets = [0, 4], sizes = [512, 4], strides = [1, 1]} : vector<512x8xf32> to vector<512x4xf32>
    %add3A_36 = arith.addf %slice3A_34, %slice3A_35 : vector<512x4xf32>
    %slice3A_37 = vector.extract_strided_slice %add3A_36 {offsets = [0, 0], sizes = [512, 2], strides = [1, 1]} : vector<512x4xf32> to vector<512x2xf32>
    %slice3A_38 = vector.extract_strided_slice %add3A_36 {offsets = [0, 2], sizes = [512, 2], strides = [1, 1]} : vector<512x4xf32> to vector<512x2xf32>
    %add3A_39 = arith.addf %slice3A_37, %slice3A_38 : vector<512x2xf32>
    %slice3A_40 = vector.extract_strided_slice %add3A_39 {offsets = [0, 0], sizes = [512, 1], strides = [1, 1]} : vector<512x2xf32> to vector<512x1xf32>
    %slice3A_41 = vector.extract_strided_slice %add3A_39 {offsets = [0, 1], sizes = [512, 1], strides = [1, 1]} : vector<512x2xf32> to vector<512x1xf32>
    %add3A_42 = arith.addf %slice3A_40, %slice3A_41 : vector<512x1xf32>
    %swap3A = arith.constant 0 : index
    %swap3A_43 = arith.constant 0 : index
    %swap3A_44 = vector.load %arg2[%swap3A, %swap3A_43] : memref<512x1xf32, #tpu.memory_space<vmem>>, vector<512x1xf32>
    tpu.vector_store %arg2[%swap3A, %swap3A_43], %add3A_42 {strides = array<i32>} : memref<512x1xf32, #tpu.memory_space<vmem>>, vector<512x1xf32>,
    return
  }
  func.func @transform_0(%arg0: i32) -> (i32, i32) {
    %c0_i32 = arith.constant 0 : i32
    %c0_i32_0 = arith.constant 0 : i32
    return %arg0, %c0_i32 : i32, i32
  }
  func.func @transform_1(%arg0: i32) -> (i32, i32) {
    %c0_i32 = arith.constant 0 : i32
    %c0_i32_0 = arith.constant 0 : i32
    return %arg0, %c0_i32 : i32, i32
  }
}

module attributes {stable_mosaic.version = 14 : i64} {
  func.func @_select_kernel(%arg0: i32, %arg1: memref<512x256xf32, #tpu.memory_space<vmem>>, %arg2: memref<512x1xi32, #tpu.memory_space<vmem>>, %arg3: memref<8192x256xf32, #tpu.memory_space<vmem>>, %arg4: memref<1x8192xf32, #tpu.memory_space<vmem>>, %arg5: memref<512x1xi32, #tpu.memory_space<vmem>>) attributes {dimension_semantics = [#tpu.dimension_semantics<arbitrary>], iteration_bounds = array<i64: 9>, scalar_prefetch = 0 : i64, scratch_operands = 0 : i64, tpu.core_type = #tpu.core_type<tc>, window_params = [{transform_indices = @transform_0, window_bounds = array<i64: 512, 256>}, {pipeline_mode = #tpu.pipeline_mode<synchronous>, transform_indices = @transform_1, window_bounds = array<i64: 512, 1>}, {pipeline_mode = #tpu.pipeline_mode<synchronous>, transform_indices = @transform_2, window_bounds = array<i64: 8192, 256>}, {pipeline_mode = #tpu.pipeline_mode<synchronous>, transform_indices = @transform_3, window_bounds = array<i64: 1, 8192>}, {transform_indices = @transform_4, window_bounds = array<i64: 512, 1>}]} {
    %get3A = arith.constant 0 : index
    %get3A_0 = arith.constant 0 : index
    %get3A_1 = vector.load %arg1[%get3A, %get3A_0] : memref<512x256xf32, #tpu.memory_space<vmem>>, vector<512x256xf32>
    %get3A_2 = arith.constant 0 : index
    %get3A_3 = arith.constant 0 : index
    %get3A_4 = vector.load %arg3[%get3A_2, %get3A_3] : memref<8192x256xf32, #tpu.memory_space<vmem>>, vector<8192x256xf32>
    %get3A_5 = arith.constant 0 : index
    %get3A_6 = arith.constant 0 : index
    %get3A_7 = vector.load %arg4[%get3A_5, %get3A_6] : memref<1x8192xf32, #tpu.memory_space<vmem>>, vector<1x8192xf32>
    %get3A_8 = arith.constant 0 : index
    %get3A_9 = arith.constant 0 : index
    %get3A_10 = vector.load %arg2[%get3A_8, %get3A_9] : memref<512x1xi32, #tpu.memory_space<vmem>>, vector<512x1xi32>
    %dot_general3A = arith.constant dense<0.000000e+00> : vector<512x8192xf32>
    %dot_general3A_11 = tpu.matmul %get3A_1, %get3A_4, %dot_general3A {dimension_numbers = #tpu.dot_dimension_numbers<[1], [1], [0], [0], [0, 0, 1, 0], [], []>, transpose_lhs_hint = false} : vector<512x256xf32>, vector<8192x256xf32>, vector<512x8192xf32> -> vector<512x8192xf32>
    %mul3A = arith.mulf %get3A_1, %get3A_1 : vector<512x256xf32>
    %slice3A = vector.extract_strided_slice %mul3A {offsets = [0, 0], sizes = [512, 128], strides = [1, 1]} : vector<512x256xf32> to vector<512x128xf32>
    %slice3A_12 = vector.extract_strided_slice %mul3A {offsets = [0, 128], sizes = [512, 128], strides = [1, 1]} : vector<512x256xf32> to vector<512x128xf32>
    %add3A = arith.addf %slice3A, %slice3A_12 : vector<512x128xf32>
    %slice3A_13 = vector.extract_strided_slice %add3A {offsets = [0, 0], sizes = [512, 8], strides = [1, 1]} : vector<512x128xf32> to vector<512x8xf32>
    %slice3A_14 = vector.extract_strided_slice %add3A {offsets = [0, 8], sizes = [512, 8], strides = [1, 1]} : vector<512x128xf32> to vector<512x8xf32>
    %add3A_15 = arith.addf %slice3A_13, %slice3A_14 : vector<512x8xf32>
    %slice3A_16 = vector.extract_strided_slice %add3A {offsets = [0, 16], sizes = [512, 8], strides = [1, 1]} : vector<512x128xf32> to vector<512x8xf32>
    %add3A_17 = arith.addf %add3A_15, %slice3A_16 : vector<512x8xf32>
    %slice3A_18 = vector.extract_strided_slice %add3A {offsets = [0, 24], sizes = [512, 8], strides = [1, 1]} : vector<512x128xf32> to vector<512x8xf32>
    %add3A_19 = arith.addf %add3A_17, %slice3A_18 : vector<512x8xf32>
    %slice3A_20 = vector.extract_strided_slice %add3A {offsets = [0, 32], sizes = [512, 8], strides = [1, 1]} : vector<512x128xf32> to vector<512x8xf32>
    %add3A_21 = arith.addf %add3A_19, %slice3A_20 : vector<512x8xf32>
    %slice3A_22 = vector.extract_strided_slice %add3A {offsets = [0, 40], sizes = [512, 8], strides = [1, 1]} : vector<512x128xf32> to vector<512x8xf32>
    %add3A_23 = arith.addf %add3A_21, %slice3A_22 : vector<512x8xf32>
    %slice3A_24 = vector.extract_strided_slice %add3A {offsets = [0, 48], sizes = [512, 8], strides = [1, 1]} : vector<512x128xf32> to vector<512x8xf32>
    %add3A_25 = arith.addf %add3A_23, %slice3A_24 : vector<512x8xf32>
    %slice3A_26 = vector.extract_strided_slice %add3A {offsets = [0, 56], sizes = [512, 8], strides = [1, 1]} : vector<512x128xf32> to vector<512x8xf32>
    %add3A_27 = arith.addf %add3A_25, %slice3A_26 : vector<512x8xf32>
    %slice3A_28 = vector.extract_strided_slice %add3A {offsets = [0, 64], sizes = [512, 8], strides = [1, 1]} : vector<512x128xf32> to vector<512x8xf32>
    %add3A_29 = arith.addf %add3A_27, %slice3A_28 : vector<512x8xf32>
    %slice3A_30 = vector.extract_strided_slice %add3A {offsets = [0, 72], sizes = [512, 8], strides = [1, 1]} : vector<512x128xf32> to vector<512x8xf32>
    %add3A_31 = arith.addf %add3A_29, %slice3A_30 : vector<512x8xf32>
    %slice3A_32 = vector.extract_strided_slice %add3A {offsets = [0, 80], sizes = [512, 8], strides = [1, 1]} : vector<512x128xf32> to vector<512x8xf32>
    %add3A_33 = arith.addf %add3A_31, %slice3A_32 : vector<512x8xf32>
    %slice3A_34 = vector.extract_strided_slice %add3A {offsets = [0, 88], sizes = [512, 8], strides = [1, 1]} : vector<512x128xf32> to vector<512x8xf32>
    %add3A_35 = arith.addf %add3A_33, %slice3A_34 : vector<512x8xf32>
    %slice3A_36 = vector.extract_strided_slice %add3A {offsets = [0, 96], sizes = [512, 8], strides = [1, 1]} : vector<512x128xf32> to vector<512x8xf32>
    %add3A_37 = arith.addf %add3A_35, %slice3A_36 : vector<512x8xf32>
    %slice3A_38 = vector.extract_strided_slice %add3A {offsets = [0, 104], sizes = [512, 8], strides = [1, 1]} : vector<512x128xf32> to vector<512x8xf32>
    %add3A_39 = arith.addf %add3A_37, %slice3A_38 : vector<512x8xf32>
    %slice3A_40 = vector.extract_strided_slice %add3A {offsets = [0, 112], sizes = [512, 8], strides = [1, 1]} : vector<512x128xf32> to vector<512x8xf32>
    %add3A_41 = arith.addf %add3A_39, %slice3A_40 : vector<512x8xf32>
    %slice3A_42 = vector.extract_strided_slice %add3A {offsets = [0, 120], sizes = [512, 8], strides = [1, 1]} : vector<512x128xf32> to vector<512x8xf32>
    %add3A_43 = arith.addf %add3A_41, %slice3A_42 : vector<512x8xf32>
    %slice3A_44 = vector.extract_strided_slice %add3A_43 {offsets = [0, 0], sizes = [512, 4], strides = [1, 1]} : vector<512x8xf32> to vector<512x4xf32>
    %slice3A_45 = vector.extract_strided_slice %add3A_43 {offsets = [0, 4], sizes = [512, 4], strides = [1, 1]} : vector<512x8xf32> to vector<512x4xf32>
    %add3A_46 = arith.addf %slice3A_44, %slice3A_45 : vector<512x4xf32>
    %slice3A_47 = vector.extract_strided_slice %add3A_46 {offsets = [0, 0], sizes = [512, 2], strides = [1, 1]} : vector<512x4xf32> to vector<512x2xf32>
    %slice3A_48 = vector.extract_strided_slice %add3A_46 {offsets = [0, 2], sizes = [512, 2], strides = [1, 1]} : vector<512x4xf32> to vector<512x2xf32>
    %add3A_49 = arith.addf %slice3A_47, %slice3A_48 : vector<512x2xf32>
    %slice3A_50 = vector.extract_strided_slice %add3A_49 {offsets = [0, 0], sizes = [512, 1], strides = [1, 1]} : vector<512x2xf32> to vector<512x1xf32>
    %slice3A_51 = vector.extract_strided_slice %add3A_49 {offsets = [0, 1], sizes = [512, 1], strides = [1, 1]} : vector<512x2xf32> to vector<512x1xf32>
    %add3A_52 = arith.addf %slice3A_50, %slice3A_51 : vector<512x1xf32>
    %add3A_53 = vector.broadcast %add3A_52 : vector<512x1xf32> to vector<512x8192xf32>
    %add3A_54 = vector.broadcast %get3A_7 : vector<1x8192xf32> to vector<512x8192xf32>
    %add3A_55 = arith.addf %add3A_53, %add3A_54 : vector<512x8192xf32>
    %mul3A_56 = arith.constant 2.000000e+00 : f32
    %mul3A_57 = vector.broadcast %mul3A_56 : f32 to vector<512x8192xf32>
    %mul3A_58 = arith.mulf %mul3A_57, %dot_general3A_11 : vector<512x8192xf32>
    %sub3A = arith.subf %add3A_55, %mul3A_58 : vector<512x8192xf32>
    %bitcast_convert_type3A = tpu.bitcast %sub3A : vector<512x8192xf32> -> vector<512x8192xi32>
    %ge3A = arith.constant 0 : i32
    %ge3A_59 = vector.broadcast %ge3A : i32 to vector<512x8192xi32>
    %ge3A_60 = arith.cmpi sge, %bitcast_convert_type3A, %ge3A_59 : vector<512x8192xi32>
    %not3A = arith.constant dense<-1> : vector<512x8192xi32>
    %not3A_61 = arith.xori %bitcast_convert_type3A, %not3A : vector<512x8192xi32>
    %xor3A = arith.constant -2147483648 : i32
    %xor3A_62 = vector.broadcast %xor3A : i32 to vector<512x8192xi32>
    %xor3A_63 = arith.xori %not3A_61, %xor3A_62 : vector<512x8192xi32>
    %select_n3A = arith.select %ge3A_60, %bitcast_convert_type3A, %xor3A_63 : vector<512x8192xi1>, vector<512x8192xi32>
    %convert_element_type3A = arith.trunci %get3A_10 : vector<512x1xi32> to vector<512x1xi16>
    %shift_right_arithmetic3A = arith.constant 16 : i32
    %shift_right_arithmetic3A_64 = vector.broadcast %shift_right_arithmetic3A : i32 to vector<512x8192xi32>
    %shift_right_arithmetic3A_65 = arith.shrsi %select_n3A, %shift_right_arithmetic3A_64 : vector<512x8192xi32>
    %convert_element_type3A_66 = arith.trunci %shift_right_arithmetic3A_65 : vector<512x8192xi32> to vector<512x8192xi16>
    %lt3A = arith.constant 0 : i16
    %lt3A_67 = vector.broadcast %lt3A : i16 to vector<512x8192xi16>
    %lt3A_68 = arith.cmpi slt, %convert_element_type3A_66, %lt3A_67 : vector<512x8192xi16>
    %convert_element_type3A_69 = arith.extui %lt3A_68 : vector<512x8192xi1> to vector<512x8192xi16>
    %slice3A_70 = vector.extract_strided_slice %convert_element_type3A_69 {offsets = [0, 0], sizes = [512, 4096], strides = [1, 1]} : vector<512x8192xi16> to vector<512x4096xi16>
    %slice3A_71 = vector.extract_strided_slice %convert_element_type3A_69 {offsets = [0, 4096], sizes = [512, 4096], strides = [1, 1]} : vector<512x8192xi16> to vector<512x4096xi16>
    %add3A_72 = arith.addi %slice3A_70, %slice3A_71 : vector<512x4096xi16>
    %slice3A_73 = vector.extract_strided_slice %add3A_72 {offsets = [0, 0], sizes = [512, 2048], strides = [1, 1]} : vector<512x4096xi16> to vector<512x2048xi16>
    %slice3A_74 = vector.extract_strided_slice %add3A_72 {offsets = [0, 2048], sizes = [512, 2048], strides = [1, 1]} : vector<512x4096xi16> to vector<512x2048xi16>
    %add3A_75 = arith.addi %slice3A_73, %slice3A_74 : vector<512x2048xi16>
    %slice3A_76 = vector.extract_strided_slice %add3A_75 {offsets = [0, 0], sizes = [512, 1024], strides = [1, 1]} : vector<512x2048xi16> to vector<512x1024xi16>
    %slice3A_77 = vector.extract_strided_slice %add3A_75 {offsets = [0, 1024], sizes = [512, 1024], strides = [1, 1]} : vector<512x2048xi16> to vector<512x1024xi16>
    %add3A_78 = arith.addi %slice3A_76, %slice3A_77 : vector<512x1024xi16>
    %slice3A_79 = vector.extract_strided_slice %add3A_78 {offsets = [0, 0], sizes = [512, 512], strides = [1, 1]} : vector<512x1024xi16> to vector<512x512xi16>
    %slice3A_80 = vector.extract_strided_slice %add3A_78 {offsets = [0, 512], sizes = [512, 512], strides = [1, 1]} : vector<512x1024xi16> to vector<512x512xi16>
    %add3A_81 = arith.addi %slice3A_79, %slice3A_80 : vector<512x512xi16>
    %slice3A_82 = vector.extract_strided_slice %add3A_81 {offsets = [0, 0], sizes = [512, 256], strides = [1, 1]} : vector<512x512xi16> to vector<512x256xi16>
    %slice3A_83 = vector.extract_strided_slice %add3A_81 {offsets = [0, 256], sizes = [512, 256], strides = [1, 1]} : vector<512x512xi16> to vector<512x256xi16>
    %add3A_84 = arith.addi %slice3A_82, %slice3A_83 : vector<512x256xi16>
    %slice3A_85 = vector.extract_strided_slice %add3A_84 {offsets = [0, 0], sizes = [512, 128], strides = [1, 1]} : vector<512x256xi16> to vector<512x128xi16>
    %slice3A_86 = vector.extract_strided_slice %add3A_84 {offsets = [0, 128], sizes = [512, 128], strides = [1, 1]} : vector<512x256xi16> to vector<512x128xi16>
    %add3A_87 = arith.addi %slice3A_85, %slice3A_86 : vector<512x128xi16>
    %convert_element_type3A_88 = arith.extsi %add3A_87 : vector<512x128xi16> to vector<512x128xi32>
    %reduce_sum3A = arith.constant dense<0> : vector<512xi32>
    %reduce_sum3A_89 = vector.multi_reduction <add>, %convert_element_type3A_88, %reduce_sum3A [1] : vector<512x128xi32> to vector<512xi32>
    %broadcast_in_dim3A = vector.shape_cast %reduce_sum3A_89 : vector<512xi32> to vector<512x1xi32>
    %convert_element_type3A_90 = arith.trunci %broadcast_in_dim3A : vector<512x1xi32> to vector<512x1xi16>
    %lt3A_91 = arith.cmpi slt, %convert_element_type3A, %convert_element_type3A_90 : vector<512x1xi16>
    %jit3A = arith.constant -32768 : i16
    %jit3A_92 = arith.constant 0 : i16
    %broadcast_in_dim3A_93 = vector.broadcast %jit3A : i16 to vector<512x1xi16>
    %broadcast_in_dim3A_94 = vector.broadcast %jit3A_92 : i16 to vector<512x1xi16>
    %select_n3A_95 = arith.select %lt3A_91, %broadcast_in_dim3A_93, %broadcast_in_dim3A_94 : vector<512x1xi1>, vector<512x1xi16>
    %jit3A_96 = arith.constant 0 : i16
    %broadcast_in_dim3A_97 = vector.broadcast %jit3A_96 : i16 to vector<512x1xi16>
    %select_n3A_98 = arith.select %lt3A_91, %broadcast_in_dim3A_97, %convert_element_type3A_90 : vector<512x1xi1>, vector<512x1xi16>
    %scan3A = arith.constant 0 : i32
    %scan3A_99 = arith.constant 15 : i32
    %scan3A_100 = arith.addi %scan3A, %scan3A_99 : i32
    %scan3A_101 = arith.constant 1 : i32
    %scan3A_102:2 = scf.for %scan3A_204 = %scan3A to %scan3A_100 step %scan3A_101 iter_args(%scan3A_205 = %select_n3A_95, %scan3A_206 = %select_n3A_98) -> (vector<512x1xi16>, vector<512x1xi16>)  : i32 {
      %sub3A_207 = arith.constant 14 : i32
      %sub3A_208 = arith.subi %sub3A_207, %scan3A_204 : i32
      %shift_left3A = arith.constant 1 : i32
      %shift_left3A_209 = arith.shli %shift_left3A, %sub3A_208 : i32
      %convert_element_type3A_210 = arith.trunci %shift_left3A_209 : i32 to i16
      %or3A = vector.broadcast %convert_element_type3A_210 : i16 to vector<512x1xi16>
      %or3A_211 = arith.ori %scan3A_205, %or3A : vector<512x1xi16>
      %lt3A_212 = vector.broadcast %or3A_211 : vector<512x1xi16> to vector<512x8192xi16>
      %lt3A_213 = arith.cmpi slt, %convert_element_type3A_66, %lt3A_212 : vector<512x8192xi16>
      %convert_element_type3A_214 = arith.extui %lt3A_213 : vector<512x8192xi1> to vector<512x8192xi16>
      %slice3A_215 = vector.extract_strided_slice %convert_element_type3A_214 {offsets = [0, 0], sizes = [512, 4096], strides = [1, 1]} : vector<512x8192xi16> to vector<512x4096xi16>
      %slice3A_216 = vector.extract_strided_slice %convert_element_type3A_214 {offsets = [0, 4096], sizes = [512, 4096], strides = [1, 1]} : vector<512x8192xi16> to vector<512x4096xi16>
      %add3A_217 = arith.addi %slice3A_215, %slice3A_216 : vector<512x4096xi16>
      %slice3A_218 = vector.extract_strided_slice %add3A_217 {offsets = [0, 0], sizes = [512, 2048], strides = [1, 1]} : vector<512x4096xi16> to vector<512x2048xi16>
      %slice3A_219 = vector.extract_strided_slice %add3A_217 {offsets = [0, 2048], sizes = [512, 2048], strides = [1, 1]} : vector<512x4096xi16> to vector<512x2048xi16>
      %add3A_220 = arith.addi %slice3A_218, %slice3A_219 : vector<512x2048xi16>
      %slice3A_221 = vector.extract_strided_slice %add3A_220 {offsets = [0, 0], sizes = [512, 1024], strides = [1, 1]} : vector<512x2048xi16> to vector<512x1024xi16>
      %slice3A_222 = vector.extract_strided_slice %add3A_220 {offsets = [0, 1024], sizes = [512, 1024], strides = [1, 1]} : vector<512x2048xi16> to vector<512x1024xi16>
      %add3A_223 = arith.addi %slice3A_221, %slice3A_222 : vector<512x1024xi16>
      %slice3A_224 = vector.extract_strided_slice %add3A_223 {offsets = [0, 0], sizes = [512, 512], strides = [1, 1]} : vector<512x1024xi16> to vector<512x512xi16>
      %slice3A_225 = vector.extract_strided_slice %add3A_223 {offsets = [0, 512], sizes = [512, 512], strides = [1, 1]} : vector<512x1024xi16> to vector<512x512xi16>
      %add3A_226 = arith.addi %slice3A_224, %slice3A_225 : vector<512x512xi16>
      %slice3A_227 = vector.extract_strided_slice %add3A_226 {offsets = [0, 0], sizes = [512, 256], strides = [1, 1]} : vector<512x512xi16> to vector<512x256xi16>
      %slice3A_228 = vector.extract_strided_slice %add3A_226 {offsets = [0, 256], sizes = [512, 256], strides = [1, 1]} : vector<512x512xi16> to vector<512x256xi16>
      %add3A_229 = arith.addi %slice3A_227, %slice3A_228 : vector<512x256xi16>
      %slice3A_230 = vector.extract_strided_slice %add3A_229 {offsets = [0, 0], sizes = [512, 128], strides = [1, 1]} : vector<512x256xi16> to vector<512x128xi16>
      %slice3A_231 = vector.extract_strided_slice %add3A_229 {offsets = [0, 128], sizes = [512, 128], strides = [1, 1]} : vector<512x256xi16> to vector<512x128xi16>
      %add3A_232 = arith.addi %slice3A_230, %slice3A_231 : vector<512x128xi16>
      %convert_element_type3A_233 = arith.extsi %add3A_232 : vector<512x128xi16> to vector<512x128xi32>
      %reduce_sum3A_234 = arith.constant dense<0> : vector<512xi32>
      %reduce_sum3A_235 = vector.multi_reduction <add>, %convert_element_type3A_233, %reduce_sum3A_234 [1] : vector<512x128xi32> to vector<512xi32>
      %broadcast_in_dim3A_236 = vector.shape_cast %reduce_sum3A_235 : vector<512xi32> to vector<512x1xi32>
      %convert_element_type3A_237 = arith.trunci %broadcast_in_dim3A_236 : vector<512x1xi32> to vector<512x1xi16>
      %le3A = arith.cmpi sle, %convert_element_type3A_237, %convert_element_type3A : vector<512x1xi16>
      %select_n3A_238 = arith.select %le3A, %or3A_211, %scan3A_205 : vector<512x1xi1>, vector<512x1xi16>
      %select_n3A_239 = arith.select %le3A, %convert_element_type3A_237, %scan3A_206 : vector<512x1xi1>, vector<512x1xi16>
      scf.yield %select_n3A_238, %select_n3A_239 : vector<512x1xi16>, vector<512x1xi16>
    }
    %scan3A_103 = arith.constant 15 : i32
    %eq3A = vector.broadcast %scan3A_102#0 : vector<512x1xi16> to vector<512x8192xi16>
    %eq3A_104 = arith.cmpi eq, %convert_element_type3A_66, %eq3A : vector<512x8192xi16>
    %convert_element_type3A_105 = arith.trunci %select_n3A : vector<512x8192xi32> to vector<512x8192xi16>
    %xor3A_106 = arith.constant -32768 : i16
    %xor3A_107 = vector.broadcast %xor3A_106 : i16 to vector<512x8192xi16>
    %xor3A_108 = arith.xori %convert_element_type3A_105, %xor3A_107 : vector<512x8192xi16>
    %jit3A_109 = arith.constant 32767 : i16
    %broadcast_in_dim3A_110 = vector.broadcast %jit3A_109 : i16 to vector<512x8192xi16>
    %select_n3A_111 = arith.select %eq3A_104, %xor3A_108, %broadcast_in_dim3A_110 : vector<512x8192xi1>, vector<512x8192xi16>
    %sub3A_112 = arith.subi %convert_element_type3A, %scan3A_102#1 : vector<512x1xi16>
    %lt3A_113 = arith.constant 0 : i16
    %lt3A_114 = vector.broadcast %lt3A_113 : i16 to vector<512x8192xi16>
    %lt3A_115 = arith.cmpi slt, %select_n3A_111, %lt3A_114 : vector<512x8192xi16>
    %convert_element_type3A_116 = arith.extui %lt3A_115 : vector<512x8192xi1> to vector<512x8192xi16>
    %slice3A_117 = vector.extract_strided_slice %convert_element_type3A_116 {offsets = [0, 0], sizes = [512, 4096], strides = [1, 1]} : vector<512x8192xi16> to vector<512x4096xi16>
    %slice3A_118 = vector.extract_strided_slice %convert_element_type3A_116 {offsets = [0, 4096], sizes = [512, 4096], strides = [1, 1]} : vector<512x8192xi16> to vector<512x4096xi16>
    %add3A_119 = arith.addi %slice3A_117, %slice3A_118 : vector<512x4096xi16>
    %slice3A_120 = vector.extract_strided_slice %add3A_119 {offsets = [0, 0], sizes = [512, 2048], strides = [1, 1]} : vector<512x4096xi16> to vector<512x2048xi16>
    %slice3A_121 = vector.extract_strided_slice %add3A_119 {offsets = [0, 2048], sizes = [512, 2048], strides = [1, 1]} : vector<512x4096xi16> to vector<512x2048xi16>
    %add3A_122 = arith.addi %slice3A_120, %slice3A_121 : vector<512x2048xi16>
    %slice3A_123 = vector.extract_strided_slice %add3A_122 {offsets = [0, 0], sizes = [512, 1024], strides = [1, 1]} : vector<512x2048xi16> to vector<512x1024xi16>
    %slice3A_124 = vector.extract_strided_slice %add3A_122 {offsets = [0, 1024], sizes = [512, 1024], strides = [1, 1]} : vector<512x2048xi16> to vector<512x1024xi16>
    %add3A_125 = arith.addi %slice3A_123, %slice3A_124 : vector<512x1024xi16>
    %slice3A_126 = vector.extract_strided_slice %add3A_125 {offsets = [0, 0], sizes = [512, 512], strides = [1, 1]} : vector<512x1024xi16> to vector<512x512xi16>
    %slice3A_127 = vector.extract_strided_slice %add3A_125 {offsets = [0, 512], sizes = [512, 512], strides = [1, 1]} : vector<512x1024xi16> to vector<512x512xi16>
    %add3A_128 = arith.addi %slice3A_126, %slice3A_127 : vector<512x512xi16>
    %slice3A_129 = vector.extract_strided_slice %add3A_128 {offsets = [0, 0], sizes = [512, 256], strides = [1, 1]} : vector<512x512xi16> to vector<512x256xi16>
    %slice3A_130 = vector.extract_strided_slice %add3A_128 {offsets = [0, 256], sizes = [512, 256], strides = [1, 1]} : vector<512x512xi16> to vector<512x256xi16>
    %add3A_131 = arith.addi %slice3A_129, %slice3A_130 : vector<512x256xi16>
    %slice3A_132 = vector.extract_strided_slice %add3A_131 {offsets = [0, 0], sizes = [512, 128], strides = [1, 1]} : vector<512x256xi16> to vector<512x128xi16>
    %slice3A_133 = vector.extract_strided_slice %add3A_131 {offsets = [0, 128], sizes = [512, 128], strides = [1, 1]} : vector<512x256xi16> to vector<512x128xi16>
    %add3A_134 = arith.addi %slice3A_132, %slice3A_133 : vector<512x128xi16>
    %convert_element_type3A_135 = arith.extsi %add3A_134 : vector<512x128xi16> to vector<512x128xi32>
    %reduce_sum3A_136 = arith.constant dense<0> : vector<512xi32>
    %reduce_sum3A_137 = vector.multi_reduction <add>, %convert_element_type3A_135, %reduce_sum3A_136 [1] : vector<512x128xi32> to vector<512xi32>
    %broadcast_in_dim3A_138 = vector.shape_cast %reduce_sum3A_137 : vector<512xi32> to vector<512x1xi32>
    %convert_element_type3A_139 = arith.trunci %broadcast_in_dim3A_138 : vector<512x1xi32> to vector<512x1xi16>
    %lt3A_140 = arith.cmpi slt, %sub3A_112, %convert_element_type3A_139 : vector<512x1xi16>
    %jit3A_141 = arith.constant -32768 : i16
    %jit3A_142 = arith.constant 0 : i16
    %broadcast_in_dim3A_143 = vector.broadcast %jit3A_141 : i16 to vector<512x1xi16>
    %broadcast_in_dim3A_144 = vector.broadcast %jit3A_142 : i16 to vector<512x1xi16>
    %select_n3A_145 = arith.select %lt3A_140, %broadcast_in_dim3A_143, %broadcast_in_dim3A_144 : vector<512x1xi1>, vector<512x1xi16>
    %jit3A_146 = arith.constant 0 : i16
    %broadcast_in_dim3A_147 = vector.broadcast %jit3A_146 : i16 to vector<512x1xi16>
    %select_n3A_148 = arith.select %lt3A_140, %broadcast_in_dim3A_147, %convert_element_type3A_139 : vector<512x1xi1>, vector<512x1xi16>
    %scan3A_149 = arith.constant 0 : i32
    %scan3A_150 = arith.constant 15 : i32
    %scan3A_151 = arith.addi %scan3A_149, %scan3A_150 : i32
    %scan3A_152 = arith.constant 1 : i32
    %scan3A_153:2 = scf.for %scan3A_204 = %scan3A_149 to %scan3A_151 step %scan3A_152 iter_args(%scan3A_205 = %select_n3A_145, %scan3A_206 = %select_n3A_148) -> (vector<512x1xi16>, vector<512x1xi16>)  : i32 {
      %sub3A_207 = arith.constant 14 : i32
      %sub3A_208 = arith.subi %sub3A_207, %scan3A_204 : i32
      %shift_left3A = arith.constant 1 : i32
      %shift_left3A_209 = arith.shli %shift_left3A, %sub3A_208 : i32
      %convert_element_type3A_210 = arith.trunci %shift_left3A_209 : i32 to i16
      %or3A = vector.broadcast %convert_element_type3A_210 : i16 to vector<512x1xi16>
      %or3A_211 = arith.ori %scan3A_205, %or3A : vector<512x1xi16>
      %lt3A_212 = vector.broadcast %or3A_211 : vector<512x1xi16> to vector<512x8192xi16>
      %lt3A_213 = arith.cmpi slt, %select_n3A_111, %lt3A_212 : vector<512x8192xi16>
      %convert_element_type3A_214 = arith.extui %lt3A_213 : vector<512x8192xi1> to vector<512x8192xi16>
      %slice3A_215 = vector.extract_strided_slice %convert_element_type3A_214 {offsets = [0, 0], sizes = [512, 4096], strides = [1, 1]} : vector<512x8192xi16> to vector<512x4096xi16>
      %slice3A_216 = vector.extract_strided_slice %convert_element_type3A_214 {offsets = [0, 4096], sizes = [512, 4096], strides = [1, 1]} : vector<512x8192xi16> to vector<512x4096xi16>
      %add3A_217 = arith.addi %slice3A_215, %slice3A_216 : vector<512x4096xi16>
      %slice3A_218 = vector.extract_strided_slice %add3A_217 {offsets = [0, 0], sizes = [512, 2048], strides = [1, 1]} : vector<512x4096xi16> to vector<512x2048xi16>
      %slice3A_219 = vector.extract_strided_slice %add3A_217 {offsets = [0, 2048], sizes = [512, 2048], strides = [1, 1]} : vector<512x4096xi16> to vector<512x2048xi16>
      %add3A_220 = arith.addi %slice3A_218, %slice3A_219 : vector<512x2048xi16>
      %slice3A_221 = vector.extract_strided_slice %add3A_220 {offsets = [0, 0], sizes = [512, 1024], strides = [1, 1]} : vector<512x2048xi16> to vector<512x1024xi16>
      %slice3A_222 = vector.extract_strided_slice %add3A_220 {offsets = [0, 1024], sizes = [512, 1024], strides = [1, 1]} : vector<512x2048xi16> to vector<512x1024xi16>
      %add3A_223 = arith.addi %slice3A_221, %slice3A_222 : vector<512x1024xi16>
      %slice3A_224 = vector.extract_strided_slice %add3A_223 {offsets = [0, 0], sizes = [512, 512], strides = [1, 1]} : vector<512x1024xi16> to vector<512x512xi16>
      %slice3A_225 = vector.extract_strided_slice %add3A_223 {offsets = [0, 512], sizes = [512, 512], strides = [1, 1]} : vector<512x1024xi16> to vector<512x512xi16>
      %add3A_226 = arith.addi %slice3A_224, %slice3A_225 : vector<512x512xi16>
      %slice3A_227 = vector.extract_strided_slice %add3A_226 {offsets = [0, 0], sizes = [512, 256], strides = [1, 1]} : vector<512x512xi16> to vector<512x256xi16>
      %slice3A_228 = vector.extract_strided_slice %add3A_226 {offsets = [0, 256], sizes = [512, 256], strides = [1, 1]} : vector<512x512xi16> to vector<512x256xi16>
      %add3A_229 = arith.addi %slice3A_227, %slice3A_228 : vector<512x256xi16>
      %slice3A_230 = vector.extract_strided_slice %add3A_229 {offsets = [0, 0], sizes = [512, 128], strides = [1, 1]} : vector<512x256xi16> to vector<512x128xi16>
      %slice3A_231 = vector.extract_strided_slice %add3A_229 {offsets = [0, 128], sizes = [512, 128], strides = [1, 1]} : vector<512x256xi16> to vector<512x128xi16>
      %add3A_232 = arith.addi %slice3A_230, %slice3A_231 : vector<512x128xi16>
      %convert_element_type3A_233 = arith.extsi %add3A_232 : vector<512x128xi16> to vector<512x128xi32>
      %reduce_sum3A_234 = arith.constant dense<0> : vector<512xi32>
      %reduce_sum3A_235 = vector.multi_reduction <add>, %convert_element_type3A_233, %reduce_sum3A_234 [1] : vector<512x128xi32> to vector<512xi32>
      %broadcast_in_dim3A_236 = vector.shape_cast %reduce_sum3A_235 : vector<512xi32> to vector<512x1xi32>
      %convert_element_type3A_237 = arith.trunci %broadcast_in_dim3A_236 : vector<512x1xi32> to vector<512x1xi16>
      %le3A = arith.cmpi sle, %convert_element_type3A_237, %sub3A_112 : vector<512x1xi16>
      %select_n3A_238 = arith.select %le3A, %or3A_211, %scan3A_205 : vector<512x1xi1>, vector<512x1xi16>
      %select_n3A_239 = arith.select %le3A, %convert_element_type3A_237, %scan3A_206 : vector<512x1xi1>, vector<512x1xi16>
      scf.yield %select_n3A_238, %select_n3A_239 : vector<512x1xi16>, vector<512x1xi16>
    }
    %scan3A_154 = arith.constant 15 : i32
    %iota3A = tpu.iota {dimensions = array<i32: 1>} : vector<512x8192xi16>
    %eq3A_155 = vector.broadcast %scan3A_153#0 : vector<512x1xi16> to vector<512x8192xi16>
    %eq3A_156 = arith.cmpi eq, %select_n3A_111, %eq3A_155 : vector<512x8192xi16>
    %and3A = arith.andi %eq3A_104, %eq3A_156 : vector<512x8192xi1>
    %jit3A_157 = arith.constant 8192 : i16
    %broadcast_in_dim3A_158 = vector.broadcast %jit3A_157 : i16 to vector<512x8192xi16>
    %select_n3A_159 = arith.select %and3A, %iota3A, %broadcast_in_dim3A_158 : vector<512x8192xi1>, vector<512x8192xi16>
    %sub3A_160 = arith.subi %convert_element_type3A, %scan3A_102#1 : vector<512x1xi16>
    %sub3A_161 = arith.subi %sub3A_160, %scan3A_153#1 : vector<512x1xi16>
    %lt3A_162 = arith.constant 0 : i16
    %lt3A_163 = vector.broadcast %lt3A_162 : i16 to vector<512x8192xi16>
    %lt3A_164 = arith.cmpi slt, %select_n3A_159, %lt3A_163 : vector<512x8192xi16>
    %convert_element_type3A_165 = arith.extui %lt3A_164 : vector<512x8192xi1> to vector<512x8192xi16>
    %slice3A_166 = vector.extract_strided_slice %convert_element_type3A_165 {offsets = [0, 0], sizes = [512, 4096], strides = [1, 1]} : vector<512x8192xi16> to vector<512x4096xi16>
    %slice3A_167 = vector.extract_strided_slice %convert_element_type3A_165 {offsets = [0, 4096], sizes = [512, 4096], strides = [1, 1]} : vector<512x8192xi16> to vector<512x4096xi16>
    %add3A_168 = arith.addi %slice3A_166, %slice3A_167 : vector<512x4096xi16>
    %slice3A_169 = vector.extract_strided_slice %add3A_168 {offsets = [0, 0], sizes = [512, 2048], strides = [1, 1]} : vector<512x4096xi16> to vector<512x2048xi16>
    %slice3A_170 = vector.extract_strided_slice %add3A_168 {offsets = [0, 2048], sizes = [512, 2048], strides = [1, 1]} : vector<512x4096xi16> to vector<512x2048xi16>
    %add3A_171 = arith.addi %slice3A_169, %slice3A_170 : vector<512x2048xi16>
    %slice3A_172 = vector.extract_strided_slice %add3A_171 {offsets = [0, 0], sizes = [512, 1024], strides = [1, 1]} : vector<512x2048xi16> to vector<512x1024xi16>
    %slice3A_173 = vector.extract_strided_slice %add3A_171 {offsets = [0, 1024], sizes = [512, 1024], strides = [1, 1]} : vector<512x2048xi16> to vector<512x1024xi16>
    %add3A_174 = arith.addi %slice3A_172, %slice3A_173 : vector<512x1024xi16>
    %slice3A_175 = vector.extract_strided_slice %add3A_174 {offsets = [0, 0], sizes = [512, 512], strides = [1, 1]} : vector<512x1024xi16> to vector<512x512xi16>
    %slice3A_176 = vector.extract_strided_slice %add3A_174 {offsets = [0, 512], sizes = [512, 512], strides = [1, 1]} : vector<512x1024xi16> to vector<512x512xi16>
    %add3A_177 = arith.addi %slice3A_175, %slice3A_176 : vector<512x512xi16>
    %slice3A_178 = vector.extract_strided_slice %add3A_177 {offsets = [0, 0], sizes = [512, 256], strides = [1, 1]} : vector<512x512xi16> to vector<512x256xi16>
    %slice3A_179 = vector.extract_strided_slice %add3A_177 {offsets = [0, 256], sizes = [512, 256], strides = [1, 1]} : vector<512x512xi16> to vector<512x256xi16>
    %add3A_180 = arith.addi %slice3A_178, %slice3A_179 : vector<512x256xi16>
    %slice3A_181 = vector.extract_strided_slice %add3A_180 {offsets = [0, 0], sizes = [512, 128], strides = [1, 1]} : vector<512x256xi16> to vector<512x128xi16>
    %slice3A_182 = vector.extract_strided_slice %add3A_180 {offsets = [0, 128], sizes = [512, 128], strides = [1, 1]} : vector<512x256xi16> to vector<512x128xi16>
    %add3A_183 = arith.addi %slice3A_181, %slice3A_182 : vector<512x128xi16>
    %convert_element_type3A_184 = arith.extsi %add3A_183 : vector<512x128xi16> to vector<512x128xi32>
    %reduce_sum3A_185 = arith.constant dense<0> : vector<512xi32>
    %reduce_sum3A_186 = vector.multi_reduction <add>, %convert_element_type3A_184, %reduce_sum3A_185 [1] : vector<512x128xi32> to vector<512xi32>
    %broadcast_in_dim3A_187 = vector.shape_cast %reduce_sum3A_186 : vector<512xi32> to vector<512x1xi32>
    %convert_element_type3A_188 = arith.trunci %broadcast_in_dim3A_187 : vector<512x1xi32> to vector<512x1xi16>
    %lt3A_189 = arith.cmpi slt, %sub3A_161, %convert_element_type3A_188 : vector<512x1xi16>
    %jit3A_190 = arith.constant -32768 : i16
    %jit3A_191 = arith.constant 0 : i16
    %broadcast_in_dim3A_192 = vector.broadcast %jit3A_190 : i16 to vector<512x1xi16>
    %broadcast_in_dim3A_193 = vector.broadcast %jit3A_191 : i16 to vector<512x1xi16>
    %select_n3A_194 = arith.select %lt3A_189, %broadcast_in_dim3A_192, %broadcast_in_dim3A_193 : vector<512x1xi1>, vector<512x1xi16>
    %scan3A_195 = arith.constant 0 : i32
    %scan3A_196 = arith.constant 13 : i32
    %scan3A_197 = arith.addi %scan3A_195, %scan3A_196 : i32
    %scan3A_198 = arith.constant 1 : i32
    %scan3A_199 = scf.for %scan3A_204 = %scan3A_195 to %scan3A_197 step %scan3A_198 iter_args(%scan3A_205 = %select_n3A_194) -> (vector<512x1xi16>)  : i32 {
      %sub3A_206 = arith.constant 12 : i32
      %sub3A_207 = arith.subi %sub3A_206, %scan3A_204 : i32
      %shift_left3A = arith.constant 1 : i32
      %shift_left3A_208 = arith.shli %shift_left3A, %sub3A_207 : i32
      %convert_element_type3A_209 = arith.trunci %shift_left3A_208 : i32 to i16
      %or3A = vector.broadcast %convert_element_type3A_209 : i16 to vector<512x1xi16>
      %or3A_210 = arith.ori %scan3A_205, %or3A : vector<512x1xi16>
      %lt3A_211 = vector.broadcast %or3A_210 : vector<512x1xi16> to vector<512x8192xi16>
      %lt3A_212 = arith.cmpi slt, %select_n3A_159, %lt3A_211 : vector<512x8192xi16>
      %convert_element_type3A_213 = arith.extui %lt3A_212 : vector<512x8192xi1> to vector<512x8192xi16>
      %slice3A_214 = vector.extract_strided_slice %convert_element_type3A_213 {offsets = [0, 0], sizes = [512, 4096], strides = [1, 1]} : vector<512x8192xi16> to vector<512x4096xi16>
      %slice3A_215 = vector.extract_strided_slice %convert_element_type3A_213 {offsets = [0, 4096], sizes = [512, 4096], strides = [1, 1]} : vector<512x8192xi16> to vector<512x4096xi16>
      %add3A_216 = arith.addi %slice3A_214, %slice3A_215 : vector<512x4096xi16>
      %slice3A_217 = vector.extract_strided_slice %add3A_216 {offsets = [0, 0], sizes = [512, 2048], strides = [1, 1]} : vector<512x4096xi16> to vector<512x2048xi16>
      %slice3A_218 = vector.extract_strided_slice %add3A_216 {offsets = [0, 2048], sizes = [512, 2048], strides = [1, 1]} : vector<512x4096xi16> to vector<512x2048xi16>
      %add3A_219 = arith.addi %slice3A_217, %slice3A_218 : vector<512x2048xi16>
      %slice3A_220 = vector.extract_strided_slice %add3A_219 {offsets = [0, 0], sizes = [512, 1024], strides = [1, 1]} : vector<512x2048xi16> to vector<512x1024xi16>
      %slice3A_221 = vector.extract_strided_slice %add3A_219 {offsets = [0, 1024], sizes = [512, 1024], strides = [1, 1]} : vector<512x2048xi16> to vector<512x1024xi16>
      %add3A_222 = arith.addi %slice3A_220, %slice3A_221 : vector<512x1024xi16>
      %slice3A_223 = vector.extract_strided_slice %add3A_222 {offsets = [0, 0], sizes = [512, 512], strides = [1, 1]} : vector<512x1024xi16> to vector<512x512xi16>
      %slice3A_224 = vector.extract_strided_slice %add3A_222 {offsets = [0, 512], sizes = [512, 512], strides = [1, 1]} : vector<512x1024xi16> to vector<512x512xi16>
      %add3A_225 = arith.addi %slice3A_223, %slice3A_224 : vector<512x512xi16>
      %slice3A_226 = vector.extract_strided_slice %add3A_225 {offsets = [0, 0], sizes = [512, 256], strides = [1, 1]} : vector<512x512xi16> to vector<512x256xi16>
      %slice3A_227 = vector.extract_strided_slice %add3A_225 {offsets = [0, 256], sizes = [512, 256], strides = [1, 1]} : vector<512x512xi16> to vector<512x256xi16>
      %add3A_228 = arith.addi %slice3A_226, %slice3A_227 : vector<512x256xi16>
      %slice3A_229 = vector.extract_strided_slice %add3A_228 {offsets = [0, 0], sizes = [512, 128], strides = [1, 1]} : vector<512x256xi16> to vector<512x128xi16>
      %slice3A_230 = vector.extract_strided_slice %add3A_228 {offsets = [0, 128], sizes = [512, 128], strides = [1, 1]} : vector<512x256xi16> to vector<512x128xi16>
      %add3A_231 = arith.addi %slice3A_229, %slice3A_230 : vector<512x128xi16>
      %convert_element_type3A_232 = arith.extsi %add3A_231 : vector<512x128xi16> to vector<512x128xi32>
      %reduce_sum3A_233 = arith.constant dense<0> : vector<512xi32>
      %reduce_sum3A_234 = vector.multi_reduction <add>, %convert_element_type3A_232, %reduce_sum3A_233 [1] : vector<512x128xi32> to vector<512xi32>
      %broadcast_in_dim3A_235 = vector.shape_cast %reduce_sum3A_234 : vector<512xi32> to vector<512x1xi32>
      %convert_element_type3A_236 = arith.trunci %broadcast_in_dim3A_235 : vector<512x1xi32> to vector<512x1xi16>
      %le3A = arith.cmpi sle, %convert_element_type3A_236, %sub3A_161 : vector<512x1xi16>
      %select_n3A_237 = arith.select %le3A, %or3A_210, %scan3A_205 : vector<512x1xi1>, vector<512x1xi16>
      scf.yield %select_n3A_237 : vector<512x1xi16>
    }
    %scan3A_200 = arith.constant 13 : i32
    %convert_element_type3A_201 = arith.extsi %scan3A_199 : vector<512x1xi16> to vector<512x1xi32>
    %swap3A = arith.constant 0 : index
    %swap3A_202 = arith.constant 0 : index
    %swap3A_203 = vector.load %arg5[%swap3A, %swap3A_202] : memref<512x1xi32, #tpu.memory_space<vmem>>, vector<512x1xi32>
    tpu.vector_store %arg5[%swap3A, %swap3A_202], %convert_element_type3A_201 {strides = array<i32>} : memref<512x1xi32, #tpu.memory_space<vmem>>, vector<512x1xi32>,
    return
  }
  func.func @transform_0(%arg0: i32) -> (i32, i32) {
    %c0_i32 = arith.constant 0 : i32
    %c0_i32_0 = arith.constant 0 : i32
    return %arg0, %c0_i32 : i32, i32
  }
  func.func @transform_1(%arg0: i32) -> (i32, i32) {
    %c0_i32 = arith.constant 0 : i32
    %c0_i32_0 = arith.constant 0 : i32
    %c0_i32_1 = arith.constant 0 : i32
    return %c0_i32, %c0_i32_0 : i32, i32
  }
  func.func @transform_2(%arg0: i32) -> (i32, i32) {
    %c0_i32 = arith.constant 0 : i32
    %c0_i32_0 = arith.constant 0 : i32
    %c0_i32_1 = arith.constant 0 : i32
    return %c0_i32, %c0_i32_0 : i32, i32
  }
  func.func @transform_3(%arg0: i32) -> (i32, i32) {
    %c0_i32 = arith.constant 0 : i32
    %c0_i32_0 = arith.constant 0 : i32
    %c0_i32_1 = arith.constant 0 : i32
    return %c0_i32, %c0_i32_0 : i32, i32
  }
  func.func @transform_4(%arg0: i32) -> (i32, i32) {
    %c0_i32 = arith.constant 0 : i32
    %c0_i32_0 = arith.constant 0 : i32
    return %arg0, %c0_i32 : i32, i32
  }
}

module attributes {stable_mosaic.version = 14 : i64} {
  func.func @_finalize_kernel(%arg0: i32, %arg1: memref<512x256xf32, #tpu.memory_space<vmem>>, %arg2: memref<512x256xf32, #tpu.memory_space<vmem>>, %arg3: memref<512x256xf32, #tpu.memory_space<vmem>>, %arg4: memref<1x1xf32, #tpu.memory_space<vmem>>, %arg5: memref<1x1xf32, #tpu.memory_space<smem>>) attributes {dimension_semantics = [#tpu.dimension_semantics<arbitrary>], iteration_bounds = array<i64: 9>, scalar_prefetch = 0 : i64, scratch_operands = 1 : i64, tpu.core_type = #tpu.core_type<tc>, window_params = [{transform_indices = @transform_0, window_bounds = array<i64: 512, 256>}, {transform_indices = @transform_1, window_bounds = array<i64: 512, 256>}, {transform_indices = @transform_2, window_bounds = array<i64: 512, 256>}, {pipeline_mode = #tpu.pipeline_mode<synchronous>, transform_indices = @transform_3, window_bounds = array<i64: 1, 1>}]} {
    %get3A = arith.constant 0 : index
    %get3A_0 = arith.constant 0 : index
    %get3A_1 = vector.load %arg1[%get3A, %get3A_0] : memref<512x256xf32, #tpu.memory_space<vmem>>, vector<512x256xf32>
    %get3A_2 = arith.constant 0 : index
    %get3A_3 = arith.constant 0 : index
    %get3A_4 = vector.load %arg2[%get3A_2, %get3A_3] : memref<512x256xf32, #tpu.memory_space<vmem>>, vector<512x256xf32>
    %sub3A = arith.subf %get3A_4, %get3A_1 : vector<512x256xf32>
    %add3A = arith.addf %get3A_1, %sub3A : vector<512x256xf32>
    %swap3A = arith.constant 0 : index
    %swap3A_5 = arith.constant 0 : index
    %swap3A_6 = vector.load %arg3[%swap3A, %swap3A_5] : memref<512x256xf32, #tpu.memory_space<vmem>>, vector<512x256xf32>
    tpu.vector_store %arg3[%swap3A, %swap3A_5], %add3A {strides = array<i32>} : memref<512x256xf32, #tpu.memory_space<vmem>>, vector<512x256xf32>,
    %eq3A = arith.constant 0 : i32
    %eq3A_7 = arith.cmpi eq, %arg0, %eq3A : i32
    %convert_element_type3A = arith.extui %eq3A_7 : i1 to i32
    %cond3A = arith.constant 0 : i32
    %cond3A_8 = arith.cmpi ne, %convert_element_type3A, %cond3A : i32
    scf.if %cond3A_8 {
      %swap3A_25 = arith.constant 0.000000e+00 : f32
      %swap3A_26 = arith.constant 0 : index
      %swap3A_27 = arith.constant 0 : index
      %swap3A_28 = memref.load %arg5[%swap3A_26, %swap3A_27] : memref<1x1xf32, #tpu.memory_space<smem>>
      memref.store %swap3A_25, %arg5[%swap3A_26, %swap3A_27] : memref<1x1xf32, #tpu.memory_space<smem>>
    } else {
    }
    %get3A_9 = arith.constant 0 : index
    %get3A_10 = arith.constant 0 : index
    %get3A_11 = memref.load %arg5[%get3A_9, %get3A_10] : memref<1x1xf32, #tpu.memory_space<smem>>
    %mul3A = arith.mulf %sub3A, %sub3A : vector<512x256xf32>
    %reduce_sum3A = vector.shape_cast %mul3A : vector<512x256xf32> to vector<1x512x256xf32>
    %reduce_sum3A_12 = arith.constant dense<0.000000e+00> : vector<1xf32>
    %reduce_sum3A_13 = vector.multi_reduction <add>, %reduce_sum3A, %reduce_sum3A_12 [1, 2] : vector<1x512x256xf32> to vector<1xf32>
    %reduce_sum3A_14 = vector.shape_cast %reduce_sum3A_13 : vector<1xf32> to vector<1x1x1xf32>
    %reduce_sum3A_15 = vector.extract %reduce_sum3A_14[0, 0, 0] : f32 from vector<1x1x1xf32>
    %add3A_16 = arith.addf %get3A_11, %reduce_sum3A_15 : f32
    %swap3A_17 = arith.constant 0 : index
    %swap3A_18 = arith.constant 0 : index
    %swap3A_19 = memref.load %arg5[%swap3A_17, %swap3A_18] : memref<1x1xf32, #tpu.memory_space<smem>>
    memref.store %add3A_16, %arg5[%swap3A_17, %swap3A_18] : memref<1x1xf32, #tpu.memory_space<smem>>
    %eq3A_20 = arith.constant 8 : i32
    %eq3A_21 = arith.cmpi eq, %arg0, %eq3A_20 : i32
    %convert_element_type3A_22 = arith.extui %eq3A_21 : i1 to i32
    %cond3A_23 = arith.constant 0 : i32
    %cond3A_24 = arith.cmpi ne, %convert_element_type3A_22, %cond3A_23 : i32
    scf.if %cond3A_24 {
      %get3A_25 = arith.constant 0 : index
      %get3A_26 = arith.constant 0 : index
      %get3A_27 = memref.load %arg5[%get3A_25, %get3A_26] : memref<1x1xf32, #tpu.memory_space<smem>>
      %div3A = arith.constant 0x49900000 : f32
      %div3A_28 = arith.divf %get3A_27, %div3A : f32
      %mul3A_29 = arith.constant 2.500000e-01 : f32
      %mul3A_30 = arith.mulf %div3A_28, %mul3A_29 : f32
      %add3A_31 = arith.addf %mul3A_30, %div3A_28 : f32
      %broadcast_in_dim3A = vector.broadcast %add3A_31 : f32 to vector<1x1xf32>
      %swap3A_32 = arith.constant 0 : index
      %swap3A_33 = arith.constant 0 : index
      %swap3A_34 = vector.load %arg4[%swap3A_32, %swap3A_33] : memref<1x1xf32, #tpu.memory_space<vmem>>, vector<1x1xf32>
      tpu.vector_store %arg4[%swap3A_32, %swap3A_33], %broadcast_in_dim3A {strides = array<i32>} : memref<1x1xf32, #tpu.memory_space<vmem>>, vector<1x1xf32>,
    } else {
    }
    return
  }
  func.func @transform_0(%arg0: i32) -> (i32, i32) {
    %c0_i32 = arith.constant 0 : i32
    %c0_i32_0 = arith.constant 0 : i32
    return %arg0, %c0_i32 : i32, i32
  }
  func.func @transform_1(%arg0: i32) -> (i32, i32) {
    %c0_i32 = arith.constant 0 : i32
    %c0_i32_0 = arith.constant 0 : i32
    return %arg0, %c0_i32 : i32, i32
  }
  func.func @transform_2(%arg0: i32) -> (i32, i32) {
    %c0_i32 = arith.constant 0 : i32
    %c0_i32_0 = arith.constant 0 : i32
    return %arg0, %c0_i32 : i32, i32
  }
  func.func @transform_3(%arg0: i32) -> (i32, i32) {
    %c0_i32 = arith.constant 0 : i32
    %c0_i32_0 = arith.constant 0 : i32
    %c0_i32_1 = arith.constant 0 : i32
    return %c0_i32, %c0_i32_0 : i32, i32
  }
}

</mosaic_0001>

<sc_bundles>
// kernel: kernel.6.cloned.1.call-start
scs
__scs_entry_jumppad:
0x0: {  	(pc) =	sbr.rel $0x88, $3  }
0x1: {  	(tag) =	ssettag $0x0;
	lr =	simm.s32 $0x1  }
0x2: {  	[smem:$0x3F9E] =	sst lr;
	_ =	strace $0xD0000000  }
0x3: {  	_ = 	snop  }
0x4: {  	_ = 	snop  }
0x5: {  	_ = 	snop  }
0x6: {  	_ = 	snop  }
0x7: {  	_ = 	snop  }
__scs_overlays_trampoline_lowered:
0x8: {  	[smem:$0x3FAD] =	sst s0  }
0x9: {  	[smem:$0x3FAE] =	sst s1  }
0xa: {  	[smem:$0x3FAF] =	sst s2  }
0xb: {  	[smem:$0x3FB0] =	sst s3  }
0xc: {  	[smem:$0x3FB1] =	sst s4  }
0xd: {  	[smem:$0x3FB2] =	sst s5  }
0xe: {  	[smem:$0x3FB3] =	sst s6  }
0xf: {  	[smem:$0x3FB4] =	sst s7  }
0x10: {  	[smem:$0x3FB5] =	sst s8  }
0x11: {  	[smem:$0x3FB6] =	sst s9;
	s0 =	simm.s32 @!p0 $0x0  }
0x12: {  	s1 =	sld [smem:$0x3F9C];
	s0 =	simm.s32 @p0 $0x1  }
0x13: {  	[smem:$0x3FB7] =	sst s0;
	s0 =	simm.s32 @!p1 $0x0  }
0x14: {  	s2 =	sld [smem:$0x3F9B];
	s0 =	simm.s32 @p1 $0x1  }
0x15: {  	[smem:$0x3FB8] =	sst s0;
	s0 =	simm.s32 @!p2 $0x0  }
0x16: {  	s3 =	sld [smem:$0x3FDB];
	s0 =	simm.s32 @p2 $0x1  }
0x17: {  	s4 =	simm.s32 $0x1BF5;
	[smem:$0x3FBA] =	sst s0  }
0x18: {  	s0 =	sld [smem:$0x3F9D];
	_ =	swait.ge [sflag:s4], $0x0  }
0x19: {  	s7 =	sld [smem:$0x3F9E]  }
0x1a: {  	s8 =	sadd.s32 $0xFFFFE003, lr  }
0x1b: {  	s9 =	sadd.s32 $0xFFFFFEF7, lr;
	s5 =	simm.s32 $0xFFFFFFFF;
	p2 =	slt.u32 s8, $0xFFFFF086  }
0x1c: {  	p1 =	slt.u32 s9, $0xF7A;
	s5 =	simm.s32 @!p2 $0x0  }
0x1d: {  	s5 =	simm.s32 @p1 $0x1;
	p0 =	seq.s32 s7, s2  }
0x1e: {  	s7 =	smul.u32 @!p0 $0xF7A, s2;
	p2 =	seq.s32 @!p0 s5, $0x0  }
0x1f: {  	s9 =	smul.u32 $0xF7A, s1;
	s8 =	simm.s32 @!p0 $0x1BF5;
	p2 =	por !p2, p0  }
0x20: {  	[sflag:s8] =	ssyncset.s32 @!p0 $0xFFFFF086;
	s6 =	sadd.s32 @!p0 s3, s7;
	s7 =	simm.s32 @!p0 $0x108  }
0x21: {  	s3 =	sadd.s32 s3, s9;
	s6 =	sadd.s32 @!p0 $0x88, s6;
	s7 =	simm.s32 @p2 $0x1082  }
0x22: {  	[simem:s7], [sflag:s8] =	dma.local @!p0 [hbm:s6], $0xF7A  }
0x23: {  	s9 =	sor.u32 $0xD0000000, s2;
	s6 =	simm.s32 $0x108;
	_ =	swait.ge @!p0 [sflag:s8], $0x0  }
0x24: {  	s3 =	sadd.s32 $0x88, s3;
	s6 =	simm.s32 @!p1 $0x1082;
	[sflag:s4] =	ssyncset.s32 $0xFFFFF086  }
0x25: {  	[simem:s6], [sflag:s4] =	dma.local [hbm:s3], $0xF7A  }
0x26: {  	[smem:$0x3F9E] =	sst s1;
	(tag) =	ssettag s2;
	_ =	strace s9  }
0x27: {  	s1 =	sld [smem:$0x3FAE]  }
0x28: {  	s2 =	sld [smem:$0x3FAF]  }
0x29: {  	s4 =	sld [smem:$0x3FB1]  }
0x2a: {  	p0 =	seq.s32 s5, $0x0;
	s5 =	sld [smem:$0x3FB2]  }
0x2b: {  	s6 =	sld [smem:$0x3FB3]  }
0x2c: {  	s7 =	sld [smem:$0x3FB4]  }
0x2d: {  	s3 =	simm.s32 $0x108;
	s8 =	sld [smem:$0x3FB5]  }
0x2e: {  	s3 =	simm.s32 @!p0 $0x1082;
	s9 =	sld [smem:$0x3FB6]  }
0x2f: {  	lr =	sadd.s32 s0, s3;
	s0 =	sld [smem:$0x3FAD]  }
0x30: {  	s3 =	sld [smem:$0x3FB0]  }
0x31: {  	[smem:$0x3FB9] =	sst s10  }
0x32: {  	s10 =	sld [smem:$0x3FB7];
	_ =	sdelay $0x3  }
0x33: {  	p0 =	seq.s32 s10, $0x1;
	s10 =	sld [smem:$0x3FB9];
	_ =	sdelay $0x3  }
0x34: {  	[smem:$0x3FB9] =	sst s10  }
0x35: {  	s10 =	sld [smem:$0x3FB8];
	_ =	sdelay $0x3  }
0x36: {  	p1 =	seq.s32 s10, $0x1;
	s10 =	sld [smem:$0x3FB9];
	_ =	sdelay $0x3  }
0x37: {  	[smem:$0x3FB9] =	sst s10  }
0x38: {  	s10 =	sld [smem:$0x3FBA]  }
0x39: {  	_ = 	snop;
	(pc) =	sbr.ind lr, $3  }
0x3a: {  	_ = 	snop  }
0x3b: {  	_ = 	snop  }
0x3c: {  	p2 =	seq.s32 s10, $0x1;
	s10 =	sld [smem:$0x3FB9]  }
0x3d: {  	_ =	shalt  }
0x3e: {  	_ =	shalt  }
0x3f: {  	_ =	shalt  }
0x40: {  	_ =	shalt  }
0x41: {  	_ =	shalt  }
0x42: {  	_ =	shalt  }
0x43: {  	_ =	shalt  }
0x44: {  	_ =	shalt  }
0x45: {  	_ =	shalt  }
0x46: {  	_ =	shalt  }
0x47: {  	_ =	shalt  }
0x48: {  	_ =	shalt  }
0x49: {  	_ =	shalt  }
0x4a: {  	_ =	shalt  }
0x4b: {  	_ =	shalt  }
0x4c: {  	_ =	shalt  }
0x4d: {  	_ =	shalt  }
0x4e: {  	_ =	shalt  }
0x4f: {  	_ =	shalt  }
0x50: {  	_ =	shalt  }
0x51: {  	_ =	shalt  }
0x52: {  	_ =	shalt  }
0x53: {  	_ =	shalt  }
0x54: {  	_ =	shalt  }
0x55: {  	_ =	shalt  }
0x56: {  	_ =	shalt  }
0x57: {  	_ =	shalt  }
0x58: {  	_ =	shalt  }
0x59: {  	_ =	shalt  }
0x5a: {  	_ =	shalt  }
0x5b: {  	_ =	shalt  }
0x5c: {  	_ =	shalt  }
0x5d: {  	_ =	shalt  }
0x5e: {  	_ =	shalt  }
0x5f: {  	_ =	shalt  }
0x60: {  	_ =	shalt  }
0x61: {  	_ =	shalt  }
0x62: {  	_ =	shalt  }
0x63: {  	_ =	shalt  }
0x64: {  	_ =	shalt  }
0x65: {  	_ =	shalt  }
0x66: {  	_ =	shalt  }
0x67: {  	_ =	shalt  }
0x68: {  	_ =	shalt  }
0x69: {  	_ =	shalt  }
0x6a: {  	_ =	shalt  }
0x6b: {  	_ =	shalt  }
0x6c: {  	_ =	shalt  }
0x6d: {  	_ =	shalt  }
0x6e: {  	_ =	shalt  }
0x6f: {  	_ =	shalt  }
0x70: {  	_ =	shalt  }
0x71: {  	_ =	shalt  }
0x72: {  	_ =	shalt  }
0x73: {  	_ =	shalt  }
0x74: {  	_ =	shalt  }
0x75: {  	_ =	shalt  }
0x76: {  	_ =	shalt  }
0x77: {  	_ =	shalt  }
0x78: {  	_ =	shalt  }
0x79: {  	_ =	shalt  }
0x7a: {  	_ =	shalt  }
0x7b: {  	_ =	shalt  }
0x7c: {  	_ =	shalt  }
0x7d: {  	_ =	shalt  }
0x7e: {  	_ =	shalt  }
0x7f: {  	_ =	shalt  }
0x80: {  	_ =	shalt  }
0x81: {  	_ =	shalt  }
0x82: {  	_ =	shalt  }
0x83: {  	_ =	shalt  }
0x84: {  	_ =	shalt  }
0x85: {  	_ =	shalt  }
0x86: {  	_ =	shalt  }
0x87: {  	_ =	shalt  }
.Lfunc_end0:
.L_simem_size_0:
called_computation_lowered:
.L_overlay_start_0:
0x88: {  	s2 =	sld [smem:$0x3FD9]  }
0x89: {  	s3 =	sld [smem:$0x3FFE];
	_ =	sdelay $0x1  }
0x8a: {  	s1 =	srdreg.scid  }
0x8b: {  	s0 =	sand.u32 $0x1, s1  }
0x8c: {  	s14 =	sshll.u32 s0, $0xA;
	s2 =	sadd.s32 s3, s2  }
0x8d: {  	s2 =	sadd.s32 s2, s14  }
0x8e: {  	[smem:$0x3FC5] =	sst s2  }
0x8f: {  	_ = 	snop  }
0x90: {  	s2 =	sld [smem:$0x3FD0];
	_ =	sdelay $0x2  }
0x91: {  	s4 =	simm.s32 $0xA;
	s5 =	simm.s32 $0x10;
	s15 =	sld [smem:$0x3FC7]  }
0x92: {  	[smem:s5], [sflag:s4] =	dma.local [hbm:s2], $0x1  }
0x93: {  	_ =	swait.eq [sflag:s4], $0x1  }
0x94: {  	[sflag:s4] =	ssyncset.done $0x0  }
0x95: {  	[sflag:s4] =	ssyncadd.s32 $0xFFFFFFFF  }
0x96: {  	s16 =	sld [smem:$0x10];
	(tm) =	ssettm $0x1  }
0x97: {  	s17 =	sld [smem:$0x3FFB];
	_ =	sdelay $0x3  }
0x98: {  	_ =	strace s17  }
0x99: {  	s4 =	sld [smem:$0x3FFC];
	_ =	sdelay $0x3  }
0x9a: {  	_ =	strace s4  }
0x9b: {  	s4 =	sld [smem:$0x3FFD];
	_ =	sdelay $0x3  }
0x9c: {  	_ =	strace s4  }
0x9d: {  	_ =	strace $0x8FFFFFFF  }
0x9e: {  	s18 =	sld [smem:$0x3FDB];
	_ =	sdelay $0x1  }
0x9f: {  	s19 =	simm.s32 $_scs_section_size  }
0xa0: {  	s6 =	simm.s32 $_size__tile_overlayer_lowered;
	s7 =	simm.s32 $_tile_overlayer_lowered  }
0xa1: {  	s22 =	simm.s32 $0x1BFF;
	s21 =	sshll.u32 s7, $0x1;
	s4 =	sadd.s32 s19, s18  }
0xa2: {  	s8 =	simm.s32 $0x0;
	s20 =	sshll.u32 s6, $0x1;
	s6 =	sadd.s32 s21, s4  }
0xa3: {  	[timem:s8], [sflag:s22] =	dma.local [hbm:s6], s20  }
0xa4: {  	_ =	swait.ge [sflag:s22], s20  }
0xa5: {  	s5 =	ssub.s32 $0x0, s20;
	[sflag:s22] =	ssyncset.done $0x0  }
0xa6: {  	[sflag:s22] =	ssyncadd.s32 s5;
	_ =	sdelay $0x1  }
0xa7: {  	s23 =	simm.s32 $0x1B8B  }
0xa8: {  	_ =	swait.ge [sflag:s23], $0x1  }
0xa9: {  	[sflag:s23] =	ssyncset.done $0x0  }
0xaa: {  	s25 =	simm.s32 $0x1B8E;
	s24 =	sld [smem:$0x3FFE];
	[sflag:s23] =	ssyncadd.s32 $0xFFFFFFFF  }
0xab: {  	s26 =	simm.s32 $execute0_lowered;
	[smem:$0x3FD2] =	sst s25  }
0xac: {  	s6 =	sshll.u32 s26, $0x1;
	_ =	strace $0x80000046;
	[dreg:$0x1] =	wrdreg $0xFFFFFFFF  }
0xad: {  	s28 =	simm.s32 $_size_execute0_lowered;
	s4 =	sadd.s32 s4, s6;
	[dreg:$0x0] =	wrdreg $0x0  }
0xae: {  	s6 =	sshll.u32 s28, $0x1;
	[dreg:$0x2] =	wrdreg s4  }
0xaf: {  	[dreg:$0x3] =	wrdreg s6  }
0xb0: {  	[dreg:$0x4] =	wrdreg $0xC0  }
0xb1: {  	_ =	task [dreg:s8], $0x5FFFF  }
0xb2: {  	[dreg:$0x1] =	wrdreg $0xFFFFFFFF  }
0xb3: {  	[dreg:$0x0] =	wrdreg $0x60  }
0xb4: {  	[dreg:$0x2] =	wrdreg s15  }
0xb5: {  	[dreg:$0x3] =	wrdreg s24  }
0xb6: {  	[dreg:$0x4] =	wrdreg s16  }
0xb7: {  	[dreg:$0x5] =	wrdreg $0x9  }
0xb8: {  	_ =	task.clear_ibuf [dreg:s8], $0x6FFFF;
	_ =	strace $0x90000046  }
0xb9: {  	s29 =	simm.s32 $0x9;
	_ =	strace $0x80000048  }
0xba: {  	_ =	swait.ge [sflag:s29], $0x1  }
0xbb: {  	[sflag:s29] =	ssyncadd.s32 $0xFFFFFFFF  }
0xbc: {  	_ =	strace $0x90000048  }
0xbd: {  	_ =	sfence  }
0xbe: {  	s30 =	sld [smem:$0x0];
	_ =	sdelay $0x2  }
0xbf: {  	s31 =	sshll.u32 s1, $0xD;
	s1 =	sshrl.u32 s1, $0x2  }
0xc0: {  	s3 =	sand.u32 $0x4000, s31;
	s1 =	sadd.s32 s1, s30  }
0xc1: {  	s0 =	sor.u32 s3, s0;
	s1 =	sshll.u32 s1, $0x11  }
0xc2: {  	s0 =	sor.u32 s1, s0  }
0xc3: {  	s0 =	sadd.s32 $0x8F2B, s0  }
0xc4: {  	[sflag:s0] =	ssyncadd.remote.s32 $0x1  }
0xc5: {  	_ =	sfence.sel $0xFFFF  }
0xc6: {  	[dreg:$0x0] =	wrdreg $0xFFFFFFFF;
	(pc) =	sbr.abs _section_cstart, $3  }
0xc7: {  	[dreg:$0x1] =	wrdreg $0xFFFFFFFF  }
0xc8: {  	_ =	task.clear_ibuf [dreg:s8], $0x2FFFF;
	_ =	strace $0x9FFFFFFF  }
0xc9: {  	(tm) =	ssettm $0x7FFFFFFF  }
tec
execute0_lowered:
.L_overlay_start_1:
0x0: {  	(tag) =	ssettag $0x1  }
0x1: {  	s1 =	rddreg [dreg:$0x0]  }
0x2: {  	s2 =	srdreg.scid;
	s4 =	rddreg [dreg:$0x1]  }
0x3: {  	s0 =	stileid.u32;
	s6 =	rddreg [dreg:$0x2]  }
0x4: {  	s3 =	simm.s32 $0x0;
	s9 =	simm.s32 $0x900;
	s10 =	simm.s32 $0x1100  }
0x5: {  	s11 =	simm.s32 $0x1900;
	s12 =	simm.s32 $0x2100;
	s13 =	simm.s32 $0x2900  }
0x6: {  	s14 =	simm.s32 $0x3100;
	s15 =	simm.s32 $0x3900;
	s16 =	simm.s32 $0x4100  }
0x7: {  	s17 =	simm.s32 $0x4900;
	s18 =	simm.s32 $0x5100;
	s19 =	simm.s32 $0x5900  }
0x8: {  	s20 =	simm.s32 $0x6100;
	s21 =	simm.s32 $0x6900;
	s22 =	simm.s32 $0x7100  }
0x9: {  	s23 =	simm.s32 $0x7900;
	s5 =	sand.u32 $0x1, s2;
	s30 =	sshll.u32 s0, $0x1  }
0xa: {  	s24 =	simm.s32 $0x8100;
	s25 =	simm.s32 $0x8900;
	s7 =	sor.u32 s5, s30  }
0xb: {  	s26 =	simm.s32 $0x1;
	s2 =	rddreg [dreg:$0x3];
	s8 =	smul.u32 $0x12, s7  }
0xc: {  	[smem:$0x7FF] =	sst s3;
	s5 =	ssub.s32 $0x2, s5;
	s7 =	smul.u32 $0x1200, s7  }
0xd: {  	v2 =	vlaneseq.u32;
	_ =	strace $0x80000047;
	s31 =	sshrl.u32 s5, $0x1;
	s4 =	sadd.s32 s8, s4  }
0xe: {  	vm0 =	vmmov $0xffff;
	v1 =	vshrl.u32 v2, $0x3;
	s8 =	ssub.s32 s5, s31;
	s5 =	sadd.s32 s6, s7;
	s7 =	simm.s32 $0x2  }
0xf: {  	v0 =	vand.u32 $0x7, v2;
	v2 =	vor.u32 $0x8, v2;
	v1 =	vmul.u32 $0x8, v1;
	s4 =	sadd.s32 $0x200, s4;
	s6 =	smax.u32 s8, $0x1;
	s8 =	simm.s32 $0x100  }
.LBB2_1:
0x10: {  	[tilespmem:s3], [sflag:$0x2] =	stream.linear.gather [hbm4b:s4+s3], $0x90, $0x38;
	[tilespmem:$0x9100] =	vst v63  }
0x11: {  	_ =	swait.ge [sflag:s7], $0x90  }
0x12: {  	[sflag:s7] =	ssyncset.done $0x0  }
0x13: {  	[sflag:s7] =	ssyncadd.s32 $0xFFFFFF70  }
0x14: {  	v3 =	vld [tilespmem:$0x0];
	_ =	sdelay $0x4  }
0x15: {  	v4 =	vshll.u32 v3, $0x1  }
0x16: {  	v3 =	vand.u32 $0x7, v3;
	v4 =	vand.u32 $0xFFFFFFF0, v4  }
0x17: {  	v3 =	vor.u32 v3, v4  }
0x18: {  	v4 =	vperm.xlane v3, v0;
	_ =	sdelay $0x1  }
0x19: {  	v3 =	vperm.xlane v3, v2;
	v4 =	vadd.s32 v1, v4;
	_ =	sdelay $0x1  }
0x1a: {  	v3 =	vadd.s32 v1, v3;
	_ =	sdelay $0x2  }
0x1b: {  	[tilespmem:s8], [sflag:$0x1] =	stream.indirect_vreg.gather [hbm4b:s1+s3], $0x80, v4, vm0, $0xb8;
	[tilespmem:$0x9100] =	vst v63  }
0x1c: {  	_ = 	snop  }
0x1d: {  	[tilespmem:s9], [sflag:$0x1] =	stream.indirect_vreg.gather [hbm4b:s1+s3], $0x80, v3, vm0, $0xb8;
	[tilespmem:$0x9100] =	vst v63  }
0x1e: {  	v3 =	vld [tilespmem:$0x10];
	_ =	sdelay $0x4  }
0x1f: {  	v56 =	vshll.u32 v3, $0x1  }
0x20: {  	v3 =	vand.u32 $0x7, v3;
	v4 =	vand.u32 $0xFFFFFFF0, v56  }
0x21: {  	v3 =	vor.u32 v3, v4  }
0x22: {  	v4 =	vperm.xlane v3, v0;
	_ =	sdelay $0x1  }
0x23: {  	v3 =	vperm.xlane v3, v2;
	v4 =	vadd.s32 v1, v4;
	_ =	sdelay $0x1  }
0x24: {  	v3 =	vadd.s32 v1, v3;
	_ =	sdelay $0x2  }
0x25: {  	[tilespmem:s10], [sflag:$0x1] =	stream.indirect_vreg.gather [hbm4b:s1+s3], $0x80, v4, vm0, $0xb8;
	[tilespmem:$0x9100] =	vst v63  }
0x26: {  	_ = 	snop  }
0x27: {  	[tilespmem:s11], [sflag:$0x1] =	stream.indirect_vreg.gather [hbm4b:s1+s3], $0x80, v3, vm0, $0xb8;
	[tilespmem:$0x9100] =	vst v63  }
0x28: {  	v3 =	vld [tilespmem:$0x20];
	_ =	sdelay $0x4  }
0x29: {  	v57 =	vshll.u32 v3, $0x1  }
0x2a: {  	v3 =	vand.u32 $0x7, v3;
	v4 =	vand.u32 $0xFFFFFFF0, v57  }
0x2b: {  	v3 =	vor.u32 v3, v4  }
0x2c: {  	v4 =	vperm.xlane v3, v0;
	_ =	sdelay $0x1  }
0x2d: {  	v3 =	vperm.xlane v3, v2;
	v4 =	vadd.s32 v1, v4;
	_ =	sdelay $0x1  }
0x2e: {  	v3 =	vadd.s32 v1, v3;
	_ =	sdelay $0x2  }
0x2f: {  	[tilespmem:s12], [sflag:$0x1] =	stream.indirect_vreg.gather [hbm4b:s1+s3], $0x80, v4, vm0, $0xb8;
	[tilespmem:$0x9100] =	vst v63  }
0x30: {  	_ = 	snop  }
0x31: {  	[tilespmem:s13], [sflag:$0x1] =	stream.indirect_vreg.gather [hbm4b:s1+s3], $0x80, v3, vm0, $0xb8;
	[tilespmem:$0x9100] =	vst v63  }
0x32: {  	v3 =	vld [tilespmem:$0x30];
	_ =	sdelay $0x4  }
0x33: {  	v58 =	vshll.u32 v3, $0x1  }
0x34: {  	v3 =	vand.u32 $0x7, v3;
	v4 =	vand.u32 $0xFFFFFFF0, v58  }
0x35: {  	v3 =	vor.u32 v3, v4  }
0x36: {  	v4 =	vperm.xlane v3, v0;
	_ =	sdelay $0x1  }
0x37: {  	v3 =	vperm.xlane v3, v2;
	v4 =	vadd.s32 v1, v4;
	_ =	sdelay $0x1  }
0x38: {  	v3 =	vadd.s32 v1, v3;
	_ =	sdelay $0x2  }
0x39: {  	[tilespmem:s14], [sflag:$0x1] =	stream.indirect_vreg.gather [hbm4b:s1+s3], $0x80, v4, vm0, $0xb8;
	[tilespmem:$0x9100] =	vst v63  }
0x3a: {  	_ = 	snop  }
0x3b: {  	[tilespmem:s15], [sflag:$0x1] =	stream.indirect_vreg.gather [hbm4b:s1+s3], $0x80, v3, vm0, $0xb8;
	[tilespmem:$0x9100] =	vst v63  }
0x3c: {  	v3 =	vld [tilespmem:$0x40];
	_ =	sdelay $0x4  }
0x3d: {  	v59 =	vshll.u32 v3, $0x1  }
0x3e: {  	v3 =	vand.u32 $0x7, v3;
	v4 =	vand.u32 $0xFFFFFFF0, v59  }
0x3f: {  	v3 =	vor.u32 v3, v4  }
0x40: {  	v4 =	vperm.xlane v3, v0;
	_ =	sdelay $0x1  }
0x41: {  	v3 =	vperm.xlane v3, v2;
	v4 =	vadd.s32 v1, v4;
	_ =	sdelay $0x1  }
0x42: {  	v3 =	vadd.s32 v1, v3;
	_ =	sdelay $0x2  }
0x43: {  	[tilespmem:s16], [sflag:$0x1] =	stream.indirect_vreg.gather [hbm4b:s1+s3], $0x80, v4, vm0, $0xb8;
	[tilespmem:$0x9100] =	vst v63  }
0x44: {  	_ = 	snop  }
0x45: {  	[tilespmem:s17], [sflag:$0x1] =	stream.indirect_vreg.gather [hbm4b:s1+s3], $0x80, v3, vm0, $0xb8;
	[tilespmem:$0x9100] =	vst v63  }
0x46: {  	v3 =	vld [tilespmem:$0x50];
	_ =	sdelay $0x4  }
0x47: {  	v60 =	vshll.u32 v3, $0x1  }
0x48: {  	v3 =	vand.u32 $0x7, v3;
	v4 =	vand.u32 $0xFFFFFFF0, v60  }
0x49: {  	v3 =	vor.u32 v3, v4  }
0x4a: {  	v4 =	vperm.xlane v3, v0;
	_ =	sdelay $0x1  }
0x4b: {  	v3 =	vperm.xlane v3, v2;
	v4 =	vadd.s32 v1, v4;
	_ =	sdelay $0x1  }
0x4c: {  	v3 =	vadd.s32 v1, v3;
	_ =	sdelay $0x2  }
0x4d: {  	[tilespmem:s18], [sflag:$0x1] =	stream.indirect_vreg.gather [hbm4b:s1+s3], $0x80, v4, vm0, $0xb8;
	[tilespmem:$0x9100] =	vst v63  }
0x4e: {  	_ = 	snop  }
0x4f: {  	[tilespmem:s19], [sflag:$0x1] =	stream.indirect_vreg.gather [hbm4b:s1+s3], $0x80, v3, vm0, $0xb8;
	[tilespmem:$0x9100] =	vst v63  }
0x50: {  	v3 =	vld [tilespmem:$0x60];
	_ =	sdelay $0x4  }
0x51: {  	v61 =	vshll.u32 v3, $0x1  }
0x52: {  	v3 =	vand.u32 $0x7, v3;
	v4 =	vand.u32 $0xFFFFFFF0, v61  }
0x53: {  	v3 =	vor.u32 v3, v4  }
0x54: {  	v4 =	vperm.xlane v3, v0;
	_ =	sdelay $0x1  }
0x55: {  	v3 =	vperm.xlane v3, v2;
	v4 =	vadd.s32 v1, v4;
	_ =	sdelay $0x1  }
0x56: {  	v3 =	vadd.s32 v1, v3;
	_ =	sdelay $0x2  }
0x57: {  	[tilespmem:s20], [sflag:$0x1] =	stream.indirect_vreg.gather [hbm4b:s1+s3], $0x80, v4, vm0, $0xb8;
	[tilespmem:$0x9100] =	vst v63  }
0x58: {  	_ = 	snop  }
0x59: {  	[tilespmem:s21], [sflag:$0x1] =	stream.indirect_vreg.gather [hbm4b:s1+s3], $0x80, v3, vm0, $0xb8;
	[tilespmem:$0x9100] =	vst v63  }
0x5a: {  	v3 =	vld [tilespmem:$0x70];
	_ =	sdelay $0x4  }
0x5b: {  	v62 =	vshll.u32 v3, $0x1  }
0x5c: {  	v3 =	vand.u32 $0x7, v3;
	v4 =	vand.u32 $0xFFFFFFF0, v62  }
0x5d: {  	v3 =	vor.u32 v3, v4  }
0x5e: {  	v4 =	vperm.xlane v3, v0;
	_ =	sdelay $0x1  }
0x5f: {  	v3 =	vperm.xlane v3, v2;
	v4 =	vadd.s32 v1, v4;
	_ =	sdelay $0x1  }
0x60: {  	v3 =	vadd.s32 v1, v3;
	_ =	sdelay $0x2  }
0x61: {  	[tilespmem:s22], [sflag:$0x1] =	stream.indirect_vreg.gather [hbm4b:s1+s3], $0x80, v4, vm0, $0xb8;
	[tilespmem:$0x9100] =	vst v63  }
0x62: {  	_ = 	snop  }
0x63: {  	[tilespmem:s23], [sflag:$0x1] =	stream.indirect_vreg.gather [hbm4b:s1+s3], $0x80, v3, vm0, $0xb8;
	[tilespmem:$0x9100] =	vst v63  }
0x64: {  	v3 =	vld [tilespmem:$0x80];
	_ =	sdelay $0x4  }
0x65: {  	v63 =	vshll.u32 v3, $0x1  }
0x66: {  	v3 =	vand.u32 $0x7, v3;
	v4 =	vand.u32 $0xFFFFFFF0, v63  }
0x67: {  	v3 =	vor.u32 v3, v4  }
0x68: {  	v4 =	vperm.xlane v3, v0;
	_ =	sdelay $0x1  }
0x69: {  	v3 =	vperm.xlane v3, v2;
	v4 =	vadd.s32 v1, v4;
	_ =	sdelay $0x1  }
0x6a: {  	v3 =	vadd.s32 v1, v3;
	_ =	sdelay $0x2  }
0x6b: {  	[tilespmem:s24], [sflag:$0x1] =	stream.indirect_vreg.gather [hbm4b:s1+s3], $0x80, v4, vm0, $0xb8;
	[tilespmem:$0x9100] =	vst v63  }
0x6c: {  	_ = 	snop  }
0x6d: {  	[tilespmem:s25], [sflag:$0x1] =	stream.indirect_vreg.gather [hbm4b:s1+s3], $0x80, v3, vm0, $0xb8;
	[tilespmem:$0x9100] =	vst v63  }
0x6e: {  	_ =	swait.ge [sflag:s26], $0x9000  }
0x6f: {  	p0 =	sne.s32 s6, $0x1;
	[sflag:s26] =	ssyncset.done $0x0  }
.Ltmp0:
0x70: {  	[sflag:s26] =	ssyncadd.s32 $0xFFFF7000;
	(pc) =	sbr.rel @p0 .LBB2_1-.Ltmp0, $4  }
0x71: {  	[hbm4b:s5+s3] =	stream.linear.scatter [tilespmem:s8], [sflag:$0x2], $0x9000, $0x38;
	[tilespmem:$0x9100] =	vst v63  }
0x72: {  	_ =	swait.ge [sflag:s7], $0x9000  }
0x73: {  	[sflag:s7] =	ssyncset.done $0x0  }
0x74: {  	s6 =	sadd.s32 $0xFFFFFFFF, s6;
	[sflag:s7] =	ssyncadd.s32 $0xFFFF7000  }
0x75: {  	_ =	sfence.sel $0x180000  }
0x76: {  	[bflag:$0x0] =	sbarrier.arrive $0xFFFF  }
0x77: {  	p0 =	sne.s32 s0, $0x0;
	_ =	strace $0x90000047  }
0x78: {  	s0 =	sadd.s32 @!p0 $0x100000, s2;
	[bflag:$0x2] =	sbarrier.arrive $0xFFFF  }
0x79: {  	[sflag:s0] =	ssyncadd.tile.s32 @!p0 $0x1;
	_ =	shalt  }
.Lfunc_end2:
_tile_overlayer_lowered:
.L_overlay_start_2:
0x7a: {  	(tag) =	ssettag $0x2  }
0x7b: {  	s0 =	rddreg [dreg:$0x0];
	s2 =	stileid.u32  }
0x7c: {  	s1 =	rddreg [dreg:$0x1];
	p0 =	sne.s32 s2, $0x0  }
0x7d: {  	s3 =	rddreg [dreg:$0x2];
	[bflag:$0x3] =	sbarrier.arrive $0xFFFF;
	s2 =	simm.s32 @!p0 $0x1C02  }
0x7e: {  	[timem:s3], [sflag:s2] =	dma.local @!p0 [hbm:s0], s1  }
0x7f: {  	s0 =	simm.s32 @!p0 $0x2  }
0x80: {  	_ =	swait.ge @!p0 [sflag:s0], s1  }
0x81: {  	s1 =	ssub.s32 @!p0 $0x0, s1;
	[sflag:s0] =	ssyncset.done @!p0 $0x0  }
0x82: {  	[sflag:s0] =	ssyncadd.s32 @!p0 s1  }
0x83: {  	[bflag:$0x3] =	sbarrier.arrive $0xFFFF  }
0x84: {  	_ =	shalt  }

</sc_bundles>
